<compile_context>
chip_gen: v7x
topology: tpu7x:2x2x1
jax: 0.10.2.dev20260603
libtpu: 0.0.44.dev20260713+nightly
codegen_flags: <defaults>
</compile_context>

<pallas_src>
import functools

import jax
import jax.numpy as jnp
from jax import lax
from jax.experimental import pallas as pl
from jax.experimental.pallas import tpu as pltpu
from jax.experimental.pallas import tpu_sc as plsc

N = 100000
E = 3200000
WIN = 80
NC = 2
NS = 16
NW = NC * NS
E_W = E // NW
NPAD = 102400
CH = 10000
WPC = CH // WIN
NCH = E_W // CH

_SC_MESH = plsc.VectorSubcoreMesh(core_axis_name="core", subcore_axis_name="subcore")



def _gather_sc(table, ei4):

    @functools.partial(
        pl.kernel,
        out_type=(jax.ShapeDtypeStruct((E,), jnp.int32),
                  jax.ShapeDtypeStruct((E,), jnp.int32)),
        mesh=_SC_MESH,
        scratch_types=[pltpu.VMEM_SHARED((NPAD,), jnp.int32)],
    )
    def k(ei_hbm, table_hbm, os_hbm, or_hbm, table_sh):
        s = lax.axis_index("subcore")

        @pl.when(s == 0)
        def _():
            pltpu.sync_copy(table_hbm, table_sh)

        plsc.subcore_barrier()

        def body(is_ref, ir_ref, os_ref, or_ref):
            pltpu.sync_copy(table_sh.at[is_ref.at[0, 0]], os_ref)
            pltpu.sync_copy(table_sh.at[ir_ref.at[0, 0]], or_ref)

        pltpu.emit_pipeline(
            body,
            grid=(E // WIN,),
            in_specs=[
                pl.BlockSpec((1, 1, WIN), lambda i: (i, 0, 0)),
                pl.BlockSpec((1, 1, WIN), lambda i: (i, 0, 0)),
            ],
            out_specs=[
                pl.BlockSpec((WIN,), lambda i: (i,)),
                pl.BlockSpec((WIN,), lambda i: (i,)),
            ],
            core_axis_name=("core", "subcore"),
            dimension_semantics=(pltpu.PARALLEL,),
        )(ei_hbm.at[0], ei_hbm.at[1], os_hbm, or_hbm)

    return k(ei4, table)



def _edge_mlp_tc(gs2, gr2, xa4, ws, wr, w1a, b1, w2, b2, w3, b3):
    R = E // 8
    BR = 2000
    G = R // BR

    def body(gs_ref, gr_ref, xa4_ref, ws_ref, wr_ref, w1a_ref, b1_ref,
             w2_ref, b2_ref, w3_ref, b3_ref, o_ref):
        xa = xa4_ref[...]
        h1 = jnp.dot(gs_ref[...], ws_ref[...],
                     preferred_element_type=jnp.float32)
        h1 = h1 + jnp.dot(gr_ref[...], wr_ref[...],
                          preferred_element_type=jnp.float32)
        h1 = h1 + jnp.dot(xa, w1a_ref[...],
                          preferred_element_type=jnp.float32)
        h1 = jnp.maximum(h1 + b1_ref[...], 0.0)
        h2 = jnp.maximum(
            jnp.dot(h1, w2_ref[...], preferred_element_type=jnp.float32)
            + b2_ref[...], 0.0)
        o_ref[...] = (jnp.dot(h2, w3_ref[...],
                              preferred_element_type=jnp.float32)
                      + b3_ref[...])

    return pl.pallas_call(
        body,
        grid=(G,),
        in_specs=[
            pl.BlockSpec((BR, 16), lambda i: (i, 0)),
            pl.BlockSpec((BR, 16), lambda i: (i, 0)),
            pl.BlockSpec((BR, 32), lambda i: (i, 0)),
            pl.BlockSpec((16, 256), lambda i: (0, 0)),
            pl.BlockSpec((16, 256), lambda i: (0, 0)),
            pl.BlockSpec((32, 256), lambda i: (0, 0)),
            pl.BlockSpec((1, 256), lambda i: (0, 0)),
            pl.BlockSpec((256, 256), lambda i: (0, 0)),
            pl.BlockSpec((1, 256), lambda i: (0, 0)),
            pl.BlockSpec((256, 8), lambda i: (0, 0)),
            pl.BlockSpec((1, 8), lambda i: (0, 0)),
        ],
        out_specs=pl.BlockSpec((BR, 8), lambda i: (i, 0)),
        out_shape=jax.ShapeDtypeStruct((R, 8), jnp.float32),
    )(gs2, gr2, xa4, ws, wr, w1a, b1, w2, b2, w3, b3)



def _scatter_sc(ei4, msg3d, zeros_n):

    @functools.partial(
        pl.kernel,
        out_type=jax.ShapeDtypeStruct((NC * NPAD,), jnp.float32),
        mesh=_SC_MESH,
        scratch_types=[
            pltpu.VMEM_SHARED((NPAD,), jnp.float32),
            pltpu.VMEM((WPC, 1, WIN), jnp.int32),
            pltpu.VMEM((WPC, 1, WIN), jnp.float32),
        ],
    )
    def k(ei_hbm, msg_hbm, zeros_hbm, out_hbm, acc_sh, idx_v, val_v):
        c = lax.axis_index("core")
        s = lax.axis_index("subcore")
        w = c * NS + s
        dst_hbm = ei_hbm.at[1]

        @pl.when(s == 0)
        def _():
            pltpu.sync_copy(zeros_hbm, acc_sh)

        plsc.subcore_barrier()

        row0 = w * (E_W // WIN)

        @pl.loop(0, NCH)
        def _(ci):
            base = row0 + ci * WPC
            pltpu.sync_copy(dst_hbm.at[pl.ds(base, WPC)], idx_v)
            pltpu.sync_copy(msg_hbm.at[pl.ds(base, WPC)], val_v)

            @pl.loop(0, WPC)
            def _(j):
                pltpu.sync_copy(val_v.at[j, 0], acc_sh.at[idx_v.at[j, 0]],
                                add=True)

        plsc.subcore_barrier()

        @pl.when(s == 0)
        def _():
            pltpu.sync_copy(acc_sh, out_hbm.at[pl.ds(c * NPAD, NPAD)])

    return k(ei4, msg3d, zeros_n)



def _node_mlp_tc(nft, partials, wn1t, bn1c, wn2c, bn2s):
    BL = 8192
    G = (N + BL - 1) // BL

    def body(nft_ref, p_ref, wn1t_ref, bn1c_ref, wn2c_ref, bn2s_ref, o_ref):
        h = nft_ref[0:1, :]
        zb = nft_ref[1:2, :]
        agg = p_ref[0:1, :] + p_ref[1:2, :]
        w0 = wn1t_ref[:, 0:1]
        w1 = wn1t_ref[:, 1:2]
        w2 = wn1t_ref[:, 2:3]
        h1 = jnp.maximum(w0 * h + w1 * zb + w2 * agg + bn1c_ref[...], 0.0)
        y = jnp.sum(h1 * wn2c_ref[...], axis=0, keepdims=True) + bn2s_ref[...]
        o_ref[...] = jnp.maximum(h + y, 0.0)

    return pl.pallas_call(
        body,
        grid=(G,),
        in_specs=[
            pl.BlockSpec((2, BL), lambda i: (0, i)),
            pl.BlockSpec((2, BL), lambda i: (0, i)),
            pl.BlockSpec((32, 3), lambda i: (0, 0)),
            pl.BlockSpec((32, 1), lambda i: (0, 0)),
            pl.BlockSpec((32, 1), lambda i: (0, 0)),
            pl.BlockSpec((1, 1), lambda i: (0, 0)),
        ],
        out_specs=pl.BlockSpec((1, BL), lambda i: (0, i)),
        out_shape=jax.ShapeDtypeStruct((1, N), jnp.float32),
    )(nft, partials, wn1t, bn1c, wn2c, bn2s)



def _block_diag8(w):
    return jax.scipy.linalg.block_diag(*([w] * 8))


def kernel(node_features, edge_index, edge_attributes,
           We1, be1, We2, be2, We3, be3,
           Wn1, bn1, Wn2, bn2):
    ei4 = edge_index.reshape(2, E // WIN, 1, WIN)

    h16 = node_features[:, 0].astype(jnp.bfloat16)
    z16 = node_features[:, 1].astype(jnp.bfloat16)
    hu = lax.bitcast_convert_type(h16, jnp.uint16).astype(jnp.uint32)
    zu = lax.bitcast_convert_type(z16, jnp.uint16).astype(jnp.uint32)
    tab = lax.bitcast_convert_type(hu | (zu << 16), jnp.int32)
    tab = jnp.pad(tab, (0, NPAD - N))

    gs, gr = _gather_sc(tab, ei4)

    gs2 = lax.bitcast_convert_type(gs, jnp.bfloat16).reshape(E // 8, 16)
    gr2 = lax.bitcast_convert_type(gr, jnp.bfloat16).reshape(E // 8, 16)
    ws = _block_diag8(We1[0:2, :]).astype(jnp.bfloat16)
    wr = _block_diag8(We1[2:4, :]).astype(jnp.bfloat16)
    w1a = _block_diag8(We1[4:8, :])
    w2 = _block_diag8(We2)
    w3 = _block_diag8(We3)
    b1 = jnp.tile(be1, 8).reshape(1, 256)
    b2 = jnp.tile(be2, 8).reshape(1, 256)
    b3 = jnp.tile(be3, 8).reshape(1, 8)
    msgs = _edge_mlp_tc(gs2, gr2, edge_attributes.reshape(E // 8, 32),
                        ws, wr, w1a, b1, w2, b2, w3, b3)

    msg3d = msgs.reshape(E // WIN, 1, WIN)
    zeros_n = jnp.zeros((NPAD,), jnp.float32)
    partials = _scatter_sc(ei4, msg3d, zeros_n).reshape(NC, NPAD)[:, :N]

    nft = node_features.T
    wn1t = Wn1.T
    bn1c = bn1.reshape(32, 1)
    wn2c = Wn2.reshape(32, 1)
    bn2s = bn2.reshape(1, 1)
    h_next_t = _node_mlp_tc(nft, partials, wn1t, bn1c, wn2c, bn2s)
    return h_next_t.reshape(N, 1)

# --- scband reference (transcript-rebuilt; emitter-appended) ---
"""Pipeline reference for scband-swegnnlayer-14920716387062 (READ-ONLY COPY).

The authoritative reference and input builder live on the scoring server;
editing this copy changes nothing except your own understanding.
"""

import jax, jax.numpy as jnp
import numpy as np

N_NODES = 100000
N_EDGES = 3200000
D_EDGE = 4


def _init_dense(key, fan_in, fan_out):
    kw, kb = jax.random.split(key)
    limit = np.sqrt(6.0 / (fan_in + fan_out)).astype(np.float32)
    W = jax.random.uniform(kw, (fan_in, fan_out), dtype=jnp.float32, minval=-limit, maxval=limit)
    b = jnp.zeros((fan_out,), dtype=jnp.float32)
    return W, b


def setup_inputs(seed: int = 0) -> dict:
    key = jax.random.key(seed)
    ks = jax.random.split(key, 10)
    node_features = jax.random.uniform(ks[0], (N_NODES, 2), dtype=jnp.float32)
    edge_index = jax.random.randint(ks[1], (2, N_EDGES), 0, N_NODES, dtype=jnp.int32)
    edge_attributes = jax.random.uniform(ks[2], (N_EDGES, D_EDGE), dtype=jnp.float32)
    # Edge message MLP: in = 2*2 + d_edge = 8 -> 32 -> 32 -> 1
    We1, be1 = _init_dense(ks[3], 4 + D_EDGE, 32)
    We2, be2 = _init_dense(ks[4], 32, 32)
    We3, be3 = _init_dense(ks[5], 32, 1)
    # Node update MLP: in = 1 + 1 + 1 = 3 -> 32 -> 1
    Wn1, bn1 = _init_dense(ks[6], 3, 32)
    Wn2, bn2 = _init_dense(ks[7], 32, 1)
    return {
        'node_features': node_features,
        'edge_index': edge_index,
        'edge_attributes': edge_attributes,
        'We1': We1, 'be1': be1,
        'We2': We2, 'be2': be2,
        'We3': We3, 'be3': be3,
        'Wn1': Wn1, 'bn1': bn1,
        'Wn2': Wn2, 'bn2': bn2,
    }


def reference(node_features, edge_index, edge_attributes,
              We1, be1, We2, be2, We3, be3,
              Wn1, bn1, Wn2, bn2):
    h_t = node_features[:, 0:1]
    zb_cell = node_features[:, 1:2]
    idx_sender = edge_index[0]
    idx_receiver = edge_index[1]
    h_sender = jnp.take(h_t, idx_sender, axis=0)
    zb_sender = jnp.take(zb_cell, idx_sender, axis=0)
    h_receiver = jnp.take(h_t, idx_receiver, axis=0)
    zb_receiver = jnp.take(zb_cell, idx_receiver, axis=0)
    edge_mlp_inputs = jnp.concatenate(
        [h_sender, zb_sender, h_receiver, zb_receiver, edge_attributes], axis=-1)
    x = jax.nn.relu(edge_mlp_inputs @ We1 + be1)
    x = jax.nn.relu(x @ We2 + be2)
    edge_messages = x @ We3 + be3
    aggregated_messages = jax.ops.segment_sum(
        edge_messages, idx_receiver, num_segments=N_NODES)
    node_update_mlp_inputs = jnp.concatenate(
        [h_t, zb_cell, aggregated_messages], axis=-1)
    y = jax.nn.relu(node_update_mlp_inputs @ Wn1 + bn1)
    update_value = y @ Wn2 + bn2
    h_next = h_t + update_value
    h_next = jnp.maximum(h_next, 0.0)
    return h_next

if __name__ == "__main__":
    import jax
    _d = setup_inputs()
    print(jax.jit(kernel)(*tuple(_d.values())))

</pallas_src>

<mosaic_0001>
#map = affine_map<(d0, d1) -> (0, 0, 0, 0)>
#map1 = affine_map<(d0, d1) -> (0)>
module attributes {stable_mosaic.version = 14 : i64} {
  func.func @k(%arg0: i32, %arg1: i32, %arg2: memref<2x40000x1x80xi32, #tpu.memory_space<hbm>>, %arg3: memref<102400xi32, #tpu.memory_space<hbm>>, %arg4: memref<3200000xi32, #tpu.memory_space<hbm>>, %arg5: memref<3200000xi32, #tpu.memory_space<hbm>>, %arg6: memref<102400xi32, #tpu.memory_space<vmem_shared>>) attributes {dimension_semantics = [#tpu.dimension_semantics<core_parallel>, #tpu.dimension_semantics<subcore_parallel>], iteration_bounds = array<i64: 2, 16>, scalar_prefetch = 0 : i64, scratch_operands = 1 : i64, tpu.core_type = #tpu.core_type<sc_vector_subcore>, window_params = [{transform_indices = #map}, {transform_indices = #map1}, {transform_indices = #map1}, {transform_indices = #map1}]} {
    %eq3A = arith.constant 0 : i32
    %eq3A_0 = arith.cmpi eq, %arg1, %eq3A : i32
    %convert_element_type3A = arith.extui %eq3A_0 : i1 to i32
    %cond3A = arith.constant 0 : i32
    %cond3A_1 = arith.cmpi ne, %convert_element_type3A, %cond3A : i32
    scf.if %cond3A_1 {
      "tpu.region"() ({
        %run_scoped3A_10 = tpu.sem_alloc : memref<!tpu.dma_semaphore, #tpu.memory_space<semaphore_mem>>
        tpu.enqueue_dma source(%arg3 : memref<102400xi32, #tpu.memory_space<hbm>>) target(%arg6 : memref<102400xi32, #tpu.memory_space<vmem_shared>>) target_semaphore(%run_scoped3A_10 : memref<!tpu.dma_semaphore, #tpu.memory_space<semaphore_mem>>)
        tpu.wait_dma2 semaphore(%run_scoped3A_10 : memref<!tpu.dma_semaphore, #tpu.memory_space<semaphore_mem>>) src(%arg3 : memref<102400xi32, #tpu.memory_space<hbm>>) dst(%arg6 : memref<102400xi32, #tpu.memory_space<vmem_shared>>)
        tpu.yield
      }) : () -> ()
    } else {
    }
    %barrier3A = arith.constant 0 : index
    tpu.barrier barrier_id(%barrier3A)
    %mul3A = arith.constant 1 : i32
    %mul3A_2 = arith.muli %arg1, %mul3A : i32
    %add3A = arith.constant 0 : i32
    %add3A_3 = arith.addi %add3A, %mul3A_2 : i32
    %mul3A_4 = arith.constant 16 : i32
    %mul3A_5 = arith.muli %arg0, %mul3A_4 : i32
    %add3A_6 = arith.addi %add3A_3, %mul3A_5 : i32
    %mul3A_7 = arith.constant 1250 : i32
    %mul3A_8 = arith.muli %add3A_6, %mul3A_7 : i32
    %run_scoped3A = arith.constant 0 : i32
    %run_scoped3A_9 = arith.constant 1 : i32
    "tpu.region"() ({
      %run_scoped3A_10 = memref.alloca() : memref<2x1x1x80xi32, #tpu.memory_space<vmem>>
      %run_scoped3A_11 = tpu.sem_alloc : memref<2x!tpu.dma_semaphore, #tpu.memory_space<semaphore_mem>>
      %run_scoped3A_12 = memref.alloca() : memref<2x1x1x80xi32, #tpu.memory_space<vmem>>
      %run_scoped3A_13 = tpu.sem_alloc : memref<2x!tpu.dma_semaphore, #tpu.memory_space<semaphore_mem>>
      %run_scoped3A_14 = memref.alloca() : memref<160xi32, #tpu.memory_space<vmem>>
      %run_scoped3A_15 = tpu.sem_alloc : memref<2x!tpu.dma_semaphore, #tpu.memory_space<semaphore_mem>>
      %run_scoped3A_16 = memref.alloca() : memref<160xi32, #tpu.memory_space<vmem>>
      %run_scoped3A_17 = tpu.sem_alloc : memref<2x!tpu.dma_semaphore, #tpu.memory_space<semaphore_mem>>
      %add3A_18 = arith.constant 0 : i32
      %add3A_19 = arith.addi %add3A_18, %mul3A_8 : i32
      %select_n3A = arith.constant true
      %select_n3A_20 = arith.constant 0 : i32
      %select_n3A_21 = arith.constant -1 : i32
      %select_n3A_22 = arith.select %select_n3A, %select_n3A_21, %select_n3A_20 : i32
      %eq3A_23 = arith.constant -1 : i32
      %eq3A_24 = arith.cmpi eq, %select_n3A_22, %eq3A_23 : i32
      %select_n3A_25 = arith.constant 1249 : i32
      %select_n3A_26 = arith.select %eq3A_24, %select_n3A_25, %select_n3A_22 : i32
      %add3A_27 = arith.addi %select_n3A_26, %mul3A_8 : i32
      %select_n3A_28 = arith.constant true
      %select_n3A_29 = arith.constant 0 : i32
      %select_n3A_30 = arith.constant 1 : i32
      %select_n3A_31 = arith.select %select_n3A_28, %select_n3A_30, %select_n3A_29 : i32
      %eq3A_32 = arith.constant 1250 : i32
      %eq3A_33 = arith.cmpi eq, %select_n3A_31, %eq3A_32 : i32
      %select_n3A_34 = arith.constant 0 : i32
      %select_n3A_35 = arith.select %eq3A_33, %select_n3A_34, %select_n3A_31 : i32
      %add3A_36 = arith.addi %select_n3A_35, %mul3A_8 : i32
      %add3A_37 = arith.constant 1 : i32
      %add3A_38 = arith.addi %select_n3A_35, %add3A_37 : i32
      %select_n3A_39 = arith.constant true
      %select_n3A_40 = arith.select %select_n3A_39, %add3A_38, %select_n3A_35 : i32
      %eq3A_41 = arith.constant 1250 : i32
      %eq3A_42 = arith.cmpi eq, %select_n3A_40, %eq3A_41 : i32
      %select_n3A_43 = arith.constant 0 : i32
      %select_n3A_44 = arith.select %eq3A_42, %select_n3A_43, %select_n3A_40 : i32
      %add3A_45 = arith.addi %select_n3A_44, %mul3A_8 : i32
      "tpu.trace_start"() <{level = 10 : i32, message = "ep_initialize_0"}> : () -> ()
      %rem3A = arith.constant 0 : i32
      %rem3A_46 = arith.constant 2 : i32
      %rem3A_47 = arith.remui %rem3A, %rem3A_46 : i32
      %mul3A_48 = arith.constant 1 : i32
      %mul3A_49 = arith.muli %mul3A_48, %add3A_19 : i32
      %dma_start3A = arith.constant 0 : i32
      %dma_start3A_50 = arith.constant 0 : i32
      %dma_start3A_51 = arith.constant 0 : i32
      %dma_start3A_52 = tpu.memref_slice %run_scoped3A_10[%rem3A_47, %dma_start3A, %dma_start3A_50, %dma_start3A_51] : memref<2x1x1x80xi32, #tpu.memory_space<vmem>> -> memref<1x1x1x80xi32, #tpu.memory_space<vmem>>
      %dma_start3A_53 = tpu.memref_squeeze %dma_start3A_52 : memref<1x1x1x80xi32, #tpu.memory_space<vmem>> -> memref<1x1x80xi32, #tpu.memory_space<vmem>>
      %dma_start3A_54 = arith.constant 0 : i32
      %dma_start3A_55 = arith.constant 0 : i32
      %dma_start3A_56 = arith.constant 0 : i32
      %dma_start3A_57 = tpu.memref_slice %arg2[%run_scoped3A, %dma_start3A_54, %dma_start3A_55, %dma_start3A_56] : memref<2x40000x1x80xi32, #tpu.memory_space<hbm>> -> memref<1x40000x1x80xi32, #tpu.memory_space<hbm>>
      %dma_start3A_58 = tpu.memref_squeeze %dma_start3A_57 : memref<1x40000x1x80xi32, #tpu.memory_space<hbm>> -> memref<40000x1x80xi32, #tpu.memory_space<hbm>>
      %dma_start3A_59 = arith.constant 0 : i32
      %dma_start3A_60 = arith.constant 0 : i32
      %dma_start3A_61 = tpu.memref_slice %dma_start3A_58[%mul3A_49, %dma_start3A_59, %dma_start3A_60] : memref<40000x1x80xi32, #tpu.memory_space<hbm>> -> memref<1x1x80xi32, #tpu.memory_space<hbm>>
      %dma_start3A_62 = tpu.memref_slice %run_scoped3A_11[%rem3A_47] : memref<2x!tpu.dma_semaphore, #tpu.memory_space<semaphore_mem>> -> memref<1x!tpu.dma_semaphore, #tpu.memory_space<semaphore_mem>>
      %dma_start3A_63 = tpu.memref_squeeze %dma_start3A_62 : memref<1x!tpu.dma_semaphore, #tpu.memory_space<semaphore_mem>> -> memref<!tpu.dma_semaphore, #tpu.memory_space<semaphore_mem>>
      %dma_start3A_64 = arith.constant 0 : i32
      %dma_start3A_65 = arith.constant 0 : i32
      %dma_start3A_66 = arith.constant 0 : i32
      %dma_start3A_67 = tpu.memref_slice %run_scoped3A_10[%rem3A_47, %dma_start3A_64, %dma_start3A_65, %dma_start3A_66] : memref<2x1x1x80xi32, #tpu.memory_space<vmem>> -> memref<1x1x1x80xi32, #tpu.memory_space<vmem>>
      %dma_start3A_68 = tpu.memref_squeeze %dma_start3A_67 : memref<1x1x1x80xi32, #tpu.memory_space<vmem>> -> memref<1x1x80xi32, #tpu.memory_space<vmem>>
      %dma_start3A_69 = arith.constant 0 : i32
      %dma_start3A_70 = arith.constant 0 : i32
      %dma_start3A_71 = arith.constant 0 : i32
      %dma_start3A_72 = tpu.memref_slice %arg2[%run_scoped3A, %dma_start3A_69, %dma_start3A_70, %dma_start3A_71] : memref<2x40000x1x80xi32, #tpu.memory_space<hbm>> -> memref<1x40000x1x80xi32, #tpu.memory_space<hbm>>
      %dma_start3A_73 = tpu.memref_squeeze %dma_start3A_72 : memref<1x40000x1x80xi32, #tpu.memory_space<hbm>> -> memref<40000x1x80xi32, #tpu.memory_space<hbm>>
      %dma_start3A_74 = arith.constant 0 : i32
      %dma_start3A_75 = arith.constant 0 : i32
      %dma_start3A_76 = tpu.memref_slice %dma_start3A_73[%mul3A_49, %dma_start3A_74, %dma_start3A_75] : memref<40000x1x80xi32, #tpu.memory_space<hbm>> -> memref<1x1x80xi32, #tpu.memory_space<hbm>>
      tpu.enqueue_dma source(%dma_start3A_76 : memref<1x1x80xi32, #tpu.memory_space<hbm>>) target(%dma_start3A_68 : memref<1x1x80xi32, #tpu.memory_space<vmem>>) target_semaphore(%dma_start3A_63 : memref<!tpu.dma_semaphore, #tpu.memory_space<semaphore_mem>>)
      %add3A_77 = arith.constant 0 : i32
      %add3A_78 = arith.constant 1 : i32
      %add3A_79 = arith.addi %add3A_77, %add3A_78 : i32
      %select_n3A_80 = arith.constant true
      %select_n3A_81 = arith.constant 0 : i32
      %select_n3A_82 = arith.select %select_n3A_80, %add3A_79, %select_n3A_81 : i32
      %rem3A_83 = arith.constant 0 : i32
      %rem3A_84 = arith.constant 2 : i32
      %rem3A_85 = arith.remui %rem3A_83, %rem3A_84 : i32
      %mul3A_86 = arith.constant 1 : i32
      %mul3A_87 = arith.muli %mul3A_86, %add3A_19 : i32
      %dma_start3A_88 = arith.constant 0 : i32
      %dma_start3A_89 = arith.constant 0 : i32
      %dma_start3A_90 = arith.constant 0 : i32
      %dma_start3A_91 = tpu.memref_slice %run_scoped3A_12[%rem3A_85, %dma_start3A_88, %dma_start3A_89, %dma_start3A_90] : memref<2x1x1x80xi32, #tpu.memory_space<vmem>> -> memref<1x1x1x80xi32, #tpu.memory_space<vmem>>
      %dma_start3A_92 = tpu.memref_squeeze %dma_start3A_91 : memref<1x1x1x80xi32, #tpu.memory_space<vmem>> -> memref<1x1x80xi32, #tpu.memory_space<vmem>>
      %dma_start3A_93 = arith.constant 0 : i32
      %dma_start3A_94 = arith.constant 0 : i32
      %dma_start3A_95 = arith.constant 0 : i32
      %dma_start3A_96 = tpu.memref_slice %arg2[%run_scoped3A_9, %dma_start3A_93, %dma_start3A_94, %dma_start3A_95] : memref<2x40000x1x80xi32, #tpu.memory_space<hbm>> -> memref<1x40000x1x80xi32, #tpu.memory_space<hbm>>
      %dma_start3A_97 = tpu.memref_squeeze %dma_start3A_96 : memref<1x40000x1x80xi32, #tpu.memory_space<hbm>> -> memref<40000x1x80xi32, #tpu.memory_space<hbm>>
      %dma_start3A_98 = arith.constant 0 : i32
      %dma_start3A_99 = arith.constant 0 : i32
      %dma_start3A_100 = tpu.memref_slice %dma_start3A_97[%mul3A_87, %dma_start3A_98, %dma_start3A_99] : memref<40000x1x80xi32, #tpu.memory_space<hbm>> -> memref<1x1x80xi32, #tpu.memory_space<hbm>>
      %dma_start3A_101 = tpu.memref_slice %run_scoped3A_13[%rem3A_85] : memref<2x!tpu.dma_semaphore, #tpu.memory_space<semaphore_mem>> -> memref<1x!tpu.dma_semaphore, #tpu.memory_space<semaphore_mem>>
      %dma_start3A_102 = tpu.memref_squeeze %dma_start3A_101 : memref<1x!tpu.dma_semaphore, #tpu.memory_space<semaphore_mem>> -> memref<!tpu.dma_semaphore, #tpu.memory_space<semaphore_mem>>
      %dma_start3A_103 = arith.constant 0 : i32
      %dma_start3A_104 = arith.constant 0 : i32
      %dma_start3A_105 = arith.constant 0 : i32
      %dma_start3A_106 = tpu.memref_slice %run_scoped3A_12[%rem3A_85, %dma_start3A_103, %dma_start3A_104, %dma_start3A_105] : memref<2x1x1x80xi32, #tpu.memory_space<vmem>> -> memref<1x1x1x80xi32, #tpu.memory_space<vmem>>
      %dma_start3A_107 = tpu.memref_squeeze %dma_start3A_106 : memref<1x1x1x80xi32, #tpu.memory_space<vmem>> -> memref<1x1x80xi32, #tpu.memory_space<vmem>>
      %dma_start3A_108 = arith.constant 0 : i32
      %dma_start3A_109 = arith.constant 0 : i32
      %dma_start3A_110 = arith.constant 0 : i32
      %dma_start3A_111 = tpu.memref_slice %arg2[%run_scoped3A_9, %dma_start3A_108, %dma_start3A_109, %dma_start3A_110] : memref<2x40000x1x80xi32, #tpu.memory_space<hbm>> -> memref<1x40000x1x80xi32, #tpu.memory_space<hbm>>
      %dma_start3A_112 = tpu.memref_squeeze %dma_start3A_111 : memref<1x40000x1x80xi32, #tpu.memory_space<hbm>> -> memref<40000x1x80xi32, #tpu.memory_space<hbm>>
      %dma_start3A_113 = arith.constant 0 : i32
      %dma_start3A_114 = arith.constant 0 : i32
      %dma_start3A_115 = tpu.memref_slice %dma_start3A_112[%mul3A_87, %dma_start3A_113, %dma_start3A_114] : memref<40000x1x80xi32, #tpu.memory_space<hbm>> -> memref<1x1x80xi32, #tpu.memory_space<hbm>>
      tpu.enqueue_dma source(%dma_start3A_115 : memref<1x1x80xi32, #tpu.memory_space<hbm>>) target(%dma_start3A_107 : memref<1x1x80xi32, #tpu.memory_space<vmem>>) target_semaphore(%dma_start3A_102 : memref<!tpu.dma_semaphore, #tpu.memory_space<semaphore_mem>>)
      %add3A_116 = arith.constant 0 : i32
      %add3A_117 = arith.constant 1 : i32
      %add3A_118 = arith.addi %add3A_116, %add3A_117 : i32
      %select_n3A_119 = arith.constant true
      %select_n3A_120 = arith.constant 0 : i32
      %select_n3A_121 = arith.select %select_n3A_119, %add3A_118, %select_n3A_120 : i32
      "tpu.trace_stop"() : () -> ()
      %scan3A = arith.constant 0 : i32
      %scan3A_122 = arith.constant 0 : i32
      %scan3A_123 = arith.constant 0 : i32
      %scan3A_124 = arith.constant 0 : i32
      %scan3A_125 = arith.constant 0 : i32
      %scan3A_126 = arith.constant 0 : i32
      %scan3A_127 = arith.constant 0 : i32
      %scan3A_128 = arith.constant 0 : i32
      %scan3A_129 = arith.constant 1250 : i32
      %scan3A_130 = arith.addi %scan3A_128, %scan3A_129 : i32
      %scan3A_131 = arith.constant 1 : i32
      %scan3A_132:9 = scf.for %scan3A_196 = %scan3A_128 to %scan3A_130 step %scan3A_131 iter_args(%scan3A_197 = %select_n3A_82, %scan3A_198 = %scan3A, %scan3A_199 = %select_n3A_121, %scan3A_200 = %scan3A_122, %scan3A_201 = %scan3A_123, %scan3A_202 = %scan3A_124, %scan3A_203 = %scan3A_125, %scan3A_204 = %scan3A_126, %scan3A_205 = %scan3A_127) -> (i32, i32, i32, i32, i32, i32, i32, i32, i32)  : i32 {
        %eq3A_206 = arith.constant 0 : i32
        %eq3A_207 = arith.cmpi eq, %scan3A_196, %eq3A_206 : i32
        %eq3A_208 = arith.constant 1249 : i32
        %eq3A_209 = arith.cmpi eq, %scan3A_196, %eq3A_208 : i32
        %add3A_210 = arith.addi %scan3A_205, %mul3A_8 : i32
        %sub3A_211 = arith.constant 1 : i32
        %sub3A_212 = arith.subi %scan3A_205, %sub3A_211 : i32
        %select_n3A_213 = arith.constant true
        %select_n3A_214 = arith.select %select_n3A_213, %sub3A_212, %scan3A_205 : i32
        %eq3A_215 = arith.constant -1 : i32
        %eq3A_216 = arith.cmpi eq, %select_n3A_214, %eq3A_215 : i32
        %select_n3A_217 = arith.constant 1249 : i32
        %select_n3A_218 = arith.select %eq3A_216, %select_n3A_217, %select_n3A_214 : i32
        %add3A_219 = arith.addi %select_n3A_218, %mul3A_8 : i32
        %add3A_220 = arith.constant 1 : i32
        %add3A_221 = arith.addi %scan3A_205, %add3A_220 : i32
        %select_n3A_222 = arith.constant true
        %select_n3A_223 = arith.select %select_n3A_222, %add3A_221, %scan3A_205 : i32
        %eq3A_224 = arith.constant 1250 : i32
        %eq3A_225 = arith.cmpi eq, %select_n3A_223, %eq3A_224 : i32
        %select_n3A_226 = arith.constant 0 : i32
        %select_n3A_227 = arith.select %eq3A_225, %select_n3A_226, %select_n3A_223 : i32
        %add3A_228 = arith.addi %select_n3A_227, %mul3A_8 : i32
        %add3A_229 = arith.constant 1 : i32
        %add3A_230 = arith.addi %select_n3A_227, %add3A_229 : i32
        %select_n3A_231 = arith.constant true
        %select_n3A_232 = arith.select %select_n3A_231, %add3A_230, %select_n3A_227 : i32
        %eq3A_233 = arith.constant 1250 : i32
        %eq3A_234 = arith.cmpi eq, %select_n3A_232, %eq3A_233 : i32
        %select_n3A_235 = arith.constant 0 : i32
        %select_n3A_236 = arith.select %eq3A_234, %select_n3A_235, %select_n3A_232 : i32
        %add3A_237 = arith.addi %select_n3A_236, %mul3A_8 : i32
        %ne3A = arith.cmpi ne, %add3A_210, %add3A_228 : i32
        %or3A = arith.constant false
        %or3A_238 = arith.ori %or3A, %ne3A : i1
        %or3A_239 = arith.constant false
        %or3A_240 = arith.ori %or3A_238, %or3A_239 : i1
        %or3A_241 = arith.constant false
        %or3A_242 = arith.ori %or3A_240, %or3A_241 : i1
        %ge3A = arith.constant 1249 : i32
        %ge3A_243 = arith.cmpi sge, %scan3A_196, %ge3A : i32
        %not3A = arith.constant true
        %not3A_244 = arith.xori %ge3A_243, %not3A : i1
        %and3A = arith.andi %or3A_242, %not3A_244 : i1
        %convert_element_type3A_245 = arith.extui %and3A : i1 to i32
        %cond3A_246 = arith.constant 0 : i32
        %cond3A_247 = arith.cmpi ne, %convert_element_type3A_245, %cond3A_246 : i32
        scf.if %cond3A_247 {
          "tpu.trace_start"() <{level = 10 : i32, message = "ep_copy_in"}> : () -> ()
          %rem3A_479 = arith.constant 2 : i32
          %rem3A_480 = arith.remui %scan3A_197, %rem3A_479 : i32
          %mul3A_481 = arith.constant 1 : i32
          %mul3A_482 = arith.muli %mul3A_481, %add3A_228 : i32
          %dma_start3A_483 = arith.constant 0 : i32
          %dma_start3A_484 = arith.constant 0 : i32
          %dma_start3A_485 = arith.constant 0 : i32
          %dma_start3A_486 = tpu.memref_slice %run_scoped3A_10[%rem3A_480, %dma_start3A_483, %dma_start3A_484, %dma_start3A_485] : memref<2x1x1x80xi32, #tpu.memory_space<vmem>> -> memref<1x1x1x80xi32, #tpu.memory_space<vmem>>
          %dma_start3A_487 = tpu.memref_squeeze %dma_start3A_486 : memref<1x1x1x80xi32, #tpu.memory_space<vmem>> -> memref<1x1x80xi32, #tpu.memory_space<vmem>>
          %dma_start3A_488 = arith.constant 0 : i32
          %dma_start3A_489 = arith.constant 0 : i32
          %dma_start3A_490 = arith.constant 0 : i32
          %dma_start3A_491 = tpu.memref_slice %arg2[%run_scoped3A, %dma_start3A_488, %dma_start3A_489, %dma_start3A_490] : memref<2x40000x1x80xi32, #tpu.memory_space<hbm>> -> memref<1x40000x1x80xi32, #tpu.memory_space<hbm>>
          %dma_start3A_492 = tpu.memref_squeeze %dma_start3A_491 : memref<1x40000x1x80xi32, #tpu.memory_space<hbm>> -> memref<40000x1x80xi32, #tpu.memory_space<hbm>>
          %dma_start3A_493 = arith.constant 0 : i32
          %dma_start3A_494 = arith.constant 0 : i32
          %dma_start3A_495 = tpu.memref_slice %dma_start3A_492[%mul3A_482, %dma_start3A_493, %dma_start3A_494] : memref<40000x1x80xi32, #tpu.memory_space<hbm>> -> memref<1x1x80xi32, #tpu.memory_space<hbm>>
          %dma_start3A_496 = tpu.memref_slice %run_scoped3A_11[%rem3A_480] : memref<2x!tpu.dma_semaphore, #tpu.memory_space<semaphore_mem>> -> memref<1x!tpu.dma_semaphore, #tpu.memory_space<semaphore_mem>>
          %dma_start3A_497 = tpu.memref_squeeze %dma_start3A_496 : memref<1x!tpu.dma_semaphore, #tpu.memory_space<semaphore_mem>> -> memref<!tpu.dma_semaphore, #tpu.memory_space<semaphore_mem>>
          %dma_start3A_498 = arith.constant 0 : i32
          %dma_start3A_499 = arith.constant 0 : i32
          %dma_start3A_500 = arith.constant 0 : i32
          %dma_start3A_501 = tpu.memref_slice %run_scoped3A_10[%rem3A_480, %dma_start3A_498, %dma_start3A_499, %dma_start3A_500] : memref<2x1x1x80xi32, #tpu.memory_space<vmem>> -> memref<1x1x1x80xi32, #tpu.memory_space<vmem>>
          %dma_start3A_502 = tpu.memref_squeeze %dma_start3A_501 : memref<1x1x1x80xi32, #tpu.memory_space<vmem>> -> memref<1x1x80xi32, #tpu.memory_space<vmem>>
          %dma_start3A_503 = arith.constant 0 : i32
          %dma_start3A_504 = arith.constant 0 : i32
          %dma_start3A_505 = arith.constant 0 : i32
          %dma_start3A_506 = tpu.memref_slice %arg2[%run_scoped3A, %dma_start3A_503, %dma_start3A_504, %dma_start3A_505] : memref<2x40000x1x80xi32, #tpu.memory_space<hbm>> -> memref<1x40000x1x80xi32, #tpu.memory_space<hbm>>
          %dma_start3A_507 = tpu.memref_squeeze %dma_start3A_506 : memref<1x40000x1x80xi32, #tpu.memory_space<hbm>> -> memref<40000x1x80xi32, #tpu.memory_space<hbm>>
          %dma_start3A_508 = arith.constant 0 : i32
          %dma_start3A_509 = arith.constant 0 : i32
          %dma_start3A_510 = tpu.memref_slice %dma_start3A_507[%mul3A_482, %dma_start3A_508, %dma_start3A_509] : memref<40000x1x80xi32, #tpu.memory_space<hbm>> -> memref<1x1x80xi32, #tpu.memory_space<hbm>>
          tpu.enqueue_dma source(%dma_start3A_510 : memref<1x1x80xi32, #tpu.memory_space<hbm>>) target(%dma_start3A_502 : memref<1x1x80xi32, #tpu.memory_space<vmem>>) target_semaphore(%dma_start3A_497 : memref<!tpu.dma_semaphore, #tpu.memory_space<semaphore_mem>>)
          "tpu.trace_stop"() : () -> ()
        } else {
        }
        %and3A_248 = arith.constant true
        %and3A_249 = arith.andi %and3A, %and3A_248 : i1
        %add3A_250 = arith.constant 1 : i32
        %add3A_251 = arith.addi %scan3A_197, %add3A_250 : i32
        %select_n3A_252 = arith.select %and3A_249, %add3A_251, %scan3A_197 : i32
        %ne3A_253 = arith.cmpi ne, %add3A_210, %add3A_228 : i32
        %or3A_254 = arith.constant false
        %or3A_255 = arith.ori %or3A_254, %ne3A_253 : i1
        %or3A_256 = arith.constant false
        %or3A_257 = arith.ori %or3A_255, %or3A_256 : i1
        %or3A_258 = arith.constant false
        %or3A_259 = arith.ori %or3A_257, %or3A_258 : i1
        %ge3A_260 = arith.constant 1249 : i32
        %ge3A_261 = arith.cmpi sge, %scan3A_196, %ge3A_260 : i32
        %not3A_262 = arith.constant true
        %not3A_263 = arith.xori %ge3A_261, %not3A_262 : i1
        %and3A_264 = arith.andi %or3A_259, %not3A_263 : i1
        %convert_element_type3A_265 = arith.extui %and3A_264 : i1 to i32
        %cond3A_266 = arith.constant 0 : i32
        %cond3A_267 = arith.cmpi ne, %convert_element_type3A_265, %cond3A_266 : i32
        scf.if %cond3A_267 {
          "tpu.trace_start"() <{level = 10 : i32, message = "ep_copy_in"}> : () -> ()
          %rem3A_479 = arith.constant 2 : i32
          %rem3A_480 = arith.remui %scan3A_199, %rem3A_479 : i32
          %mul3A_481 = arith.constant 1 : i32
          %mul3A_482 = arith.muli %mul3A_481, %add3A_228 : i32
          %dma_start3A_483 = arith.constant 0 : i32
          %dma_start3A_484 = arith.constant 0 : i32
          %dma_start3A_485 = arith.constant 0 : i32
          %dma_start3A_486 = tpu.memref_slice %run_scoped3A_12[%rem3A_480, %dma_start3A_483, %dma_start3A_484, %dma_start3A_485] : memref<2x1x1x80xi32, #tpu.memory_space<vmem>> -> memref<1x1x1x80xi32, #tpu.memory_space<vmem>>
          %dma_start3A_487 = tpu.memref_squeeze %dma_start3A_486 : memref<1x1x1x80xi32, #tpu.memory_space<vmem>> -> memref<1x1x80xi32, #tpu.memory_space<vmem>>
          %dma_start3A_488 = arith.constant 0 : i32
          %dma_start3A_489 = arith.constant 0 : i32
          %dma_start3A_490 = arith.constant 0 : i32
          %dma_start3A_491 = tpu.memref_slice %arg2[%run_scoped3A_9, %dma_start3A_488, %dma_start3A_489, %dma_start3A_490] : memref<2x40000x1x80xi32, #tpu.memory_space<hbm>> -> memref<1x40000x1x80xi32, #tpu.memory_space<hbm>>
          %dma_start3A_492 = tpu.memref_squeeze %dma_start3A_491 : memref<1x40000x1x80xi32, #tpu.memory_space<hbm>> -> memref<40000x1x80xi32, #tpu.memory_space<hbm>>
          %dma_start3A_493 = arith.constant 0 : i32
          %dma_start3A_494 = arith.constant 0 : i32
          %dma_start3A_495 = tpu.memref_slice %dma_start3A_492[%mul3A_482, %dma_start3A_493, %dma_start3A_494] : memref<40000x1x80xi32, #tpu.memory_space<hbm>> -> memref<1x1x80xi32, #tpu.memory_space<hbm>>
          %dma_start3A_496 = tpu.memref_slice %run_scoped3A_13[%rem3A_480] : memref<2x!tpu.dma_semaphore, #tpu.memory_space<semaphore_mem>> -> memref<1x!tpu.dma_semaphore, #tpu.memory_space<semaphore_mem>>
          %dma_start3A_497 = tpu.memref_squeeze %dma_start3A_496 : memref<1x!tpu.dma_semaphore, #tpu.memory_space<semaphore_mem>> -> memref<!tpu.dma_semaphore, #tpu.memory_space<semaphore_mem>>
          %dma_start3A_498 = arith.constant 0 : i32
          %dma_start3A_499 = arith.constant 0 : i32
          %dma_start3A_500 = arith.constant 0 : i32
          %dma_start3A_501 = tpu.memref_slice %run_scoped3A_12[%rem3A_480, %dma_start3A_498, %dma_start3A_499, %dma_start3A_500] : memref<2x1x1x80xi32, #tpu.memory_space<vmem>> -> memref<1x1x1x80xi32, #tpu.memory_space<vmem>>
          %dma_start3A_502 = tpu.memref_squeeze %dma_start3A_501 : memref<1x1x1x80xi32, #tpu.memory_space<vmem>> -> memref<1x1x80xi32, #tpu.memory_space<vmem>>
          %dma_start3A_503 = arith.constant 0 : i32
          %dma_start3A_504 = arith.constant 0 : i32
          %dma_start3A_505 = arith.constant 0 : i32
          %dma_start3A_506 = tpu.memref_slice %arg2[%run_scoped3A_9, %dma_start3A_503, %dma_start3A_504, %dma_start3A_505] : memref<2x40000x1x80xi32, #tpu.memory_space<hbm>> -> memref<1x40000x1x80xi32, #tpu.memory_space<hbm>>
          %dma_start3A_507 = tpu.memref_squeeze %dma_start3A_506 : memref<1x40000x1x80xi32, #tpu.memory_space<hbm>> -> memref<40000x1x80xi32, #tpu.memory_space<hbm>>
          %dma_start3A_508 = arith.constant 0 : i32
          %dma_start3A_509 = arith.constant 0 : i32
          %dma_start3A_510 = tpu.memref_slice %dma_start3A_507[%mul3A_482, %dma_start3A_508, %dma_start3A_509] : memref<40000x1x80xi32, #tpu.memory_space<hbm>> -> memref<1x1x80xi32, #tpu.memory_space<hbm>>
          tpu.enqueue_dma source(%dma_start3A_510 : memref<1x1x80xi32, #tpu.memory_space<hbm>>) target(%dma_start3A_502 : memref<1x1x80xi32, #tpu.memory_space<vmem>>) target_semaphore(%dma_start3A_497 : memref<!tpu.dma_semaphore, #tpu.memory_space<semaphore_mem>>)
          "tpu.trace_stop"() : () -> ()
        } else {
        }
        %and3A_268 = arith.constant true
        %and3A_269 = arith.andi %and3A_264, %and3A_268 : i1
        %add3A_270 = arith.constant 1 : i32
        %add3A_271 = arith.addi %scan3A_199, %add3A_270 : i32
        %select_n3A_272 = arith.select %and3A_269, %add3A_271, %scan3A_199 : i32
        %ne3A_273 = arith.cmpi ne, %add3A_210, %add3A_228 : i32
        %or3A_274 = arith.constant false
        %or3A_275 = arith.ori %or3A_274, %ne3A_273 : i1
        %ge3A_276 = arith.constant 1249 : i32
        %ge3A_277 = arith.cmpi sge, %scan3A_196, %ge3A_276 : i32
        %not3A_278 = arith.constant true
        %not3A_279 = arith.xori %ge3A_277, %not3A_278 : i1
        %and3A_280 = arith.andi %or3A_275, %not3A_279 : i1
        %ne3A_281 = arith.cmpi ne, %add3A_210, %add3A_228 : i32
        %or3A_282 = arith.constant false
        %or3A_283 = arith.ori %or3A_282, %ne3A_281 : i1
        %ge3A_284 = arith.constant 1249 : i32
        %ge3A_285 = arith.cmpi sge, %scan3A_196, %ge3A_284 : i32
        %not3A_286 = arith.constant true
        %not3A_287 = arith.xori %ge3A_285, %not3A_286 : i1
        %and3A_288 = arith.andi %or3A_283, %not3A_287 : i1
        %ne3A_289 = arith.cmpi ne, %add3A_210, %add3A_219 : i32
        %or3A_290 = arith.constant false
        %or3A_291 = arith.ori %or3A_290, %ne3A_289 : i1
        %or3A_292 = arith.constant false
        %or3A_293 = arith.ori %or3A_291, %or3A_292 : i1
        %or3A_294 = arith.constant false
        %or3A_295 = arith.ori %or3A_293, %or3A_294 : i1
        %or3A_296 = arith.ori %or3A_295, %eq3A_207 : i1
        %convert_element_type3A_297 = arith.extui %or3A_296 : i1 to i32
        %cond3A_298 = arith.constant 0 : i32
        %cond3A_299 = arith.cmpi ne, %convert_element_type3A_297, %cond3A_298 : i32
        scf.if %cond3A_299 {
          "tpu.trace_start"() <{level = 10 : i32, message = "ep_wait_in"}> : () -> ()
          %mul3A_479 = arith.constant 1 : i32
          %mul3A_480 = arith.muli %mul3A_479, %add3A_210 : i32
          %rem3A_481 = arith.constant 2 : i32
          %rem3A_482 = arith.remui %scan3A_198, %rem3A_481 : i32
          %dma_wait3A_483 = arith.constant 0 : i32
          %dma_wait3A_484 = arith.constant 0 : i32
          %dma_wait3A_485 = arith.constant 0 : i32
          %dma_wait3A_486 = tpu.memref_slice %run_scoped3A_10[%rem3A_482, %dma_wait3A_483, %dma_wait3A_484, %dma_wait3A_485] : memref<2x1x1x80xi32, #tpu.memory_space<vmem>> -> memref<1x1x1x80xi32, #tpu.memory_space<vmem>>
          %dma_wait3A_487 = tpu.memref_squeeze %dma_wait3A_486 : memref<1x1x1x80xi32, #tpu.memory_space<vmem>> -> memref<1x1x80xi32, #tpu.memory_space<vmem>>
          %dma_wait3A_488 = arith.constant 0 : i32
          %dma_wait3A_489 = arith.constant 0 : i32
          %dma_wait3A_490 = arith.constant 0 : i32
          %dma_wait3A_491 = tpu.memref_slice %arg2[%run_scoped3A, %dma_wait3A_488, %dma_wait3A_489, %dma_wait3A_490] : memref<2x40000x1x80xi32, #tpu.memory_space<hbm>> -> memref<1x40000x1x80xi32, #tpu.memory_space<hbm>>
          %dma_wait3A_492 = tpu.memref_squeeze %dma_wait3A_491 : memref<1x40000x1x80xi32, #tpu.memory_space<hbm>> -> memref<40000x1x80xi32, #tpu.memory_space<hbm>>
          %dma_wait3A_493 = arith.constant 0 : i32
          %dma_wait3A_494 = arith.constant 0 : i32
          %dma_wait3A_495 = tpu.memref_slice %dma_wait3A_492[%mul3A_480, %dma_wait3A_493, %dma_wait3A_494] : memref<40000x1x80xi32, #tpu.memory_space<hbm>> -> memref<1x1x80xi32, #tpu.memory_space<hbm>>
          %dma_wait3A_496 = tpu.memref_slice %run_scoped3A_11[%rem3A_482] : memref<2x!tpu.dma_semaphore, #tpu.memory_space<semaphore_mem>> -> memref<1x!tpu.dma_semaphore, #tpu.memory_space<semaphore_mem>>
          %dma_wait3A_497 = tpu.memref_squeeze %dma_wait3A_496 : memref<1x!tpu.dma_semaphore, #tpu.memory_space<semaphore_mem>> -> memref<!tpu.dma_semaphore, #tpu.memory_space<semaphore_mem>>
          %dma_wait3A_498 = arith.constant 0 : i32
          %dma_wait3A_499 = arith.constant 0 : i32
          %dma_wait3A_500 = arith.constant 0 : i32
          %dma_wait3A_501 = tpu.memref_slice %run_scoped3A_10[%rem3A_482, %dma_wait3A_498, %dma_wait3A_499, %dma_wait3A_500] : memref<2x1x1x80xi32, #tpu.memory_space<vmem>> -> memref<1x1x1x80xi32, #tpu.memory_space<vmem>>
          %dma_wait3A_502 = tpu.memref_squeeze %dma_wait3A_501 : memref<1x1x1x80xi32, #tpu.memory_space<vmem>> -> memref<1x1x80xi32, #tpu.memory_space<vmem>>
          %dma_wait3A_503 = arith.constant 0 : i32
          %dma_wait3A_504 = arith.constant 0 : i32
          %dma_wait3A_505 = arith.constant 0 : i32
          %dma_wait3A_506 = tpu.memref_slice %arg2[%run_scoped3A, %dma_wait3A_503, %dma_wait3A_504, %dma_wait3A_505] : memref<2x40000x1x80xi32, #tpu.memory_space<hbm>> -> memref<1x40000x1x80xi32, #tpu.memory_space<hbm>>
          %dma_wait3A_507 = tpu.memref_squeeze %dma_wait3A_506 : memref<1x40000x1x80xi32, #tpu.memory_space<hbm>> -> memref<40000x1x80xi32, #tpu.memory_space<hbm>>
          %dma_wait3A_508 = arith.constant 0 : i32
          %dma_wait3A_509 = arith.constant 0 : i32
          %dma_wait3A_510 = tpu.memref_slice %dma_wait3A_507[%mul3A_480, %dma_wait3A_508, %dma_wait3A_509] : memref<40000x1x80xi32, #tpu.memory_space<hbm>> -> memref<1x1x80xi32, #tpu.memory_space<hbm>>
          tpu.wait_dma2 semaphore(%dma_wait3A_497 : memref<!tpu.dma_semaphore, #tpu.memory_space<semaphore_mem>>) src(%dma_wait3A_510 : memref<1x1x80xi32, #tpu.memory_space<hbm>>) dst(%dma_wait3A_502 : memref<1x1x80xi32, #tpu.memory_space<vmem>>)
          "tpu.trace_stop"() : () -> ()
        } else {
        }
        %ne3A_300 = arith.cmpi ne, %add3A_210, %add3A_219 : i32
        %or3A_301 = arith.constant false
        %or3A_302 = arith.ori %or3A_301, %ne3A_300 : i1
        %or3A_303 = arith.constant false
        %or3A_304 = arith.ori %or3A_302, %or3A_303 : i1
        %or3A_305 = arith.constant false
        %or3A_306 = arith.ori %or3A_304, %or3A_305 : i1
        %or3A_307 = arith.ori %or3A_306, %eq3A_207 : i1
        %convert_element_type3A_308 = arith.extui %or3A_307 : i1 to i32
        %cond3A_309 = arith.constant 0 : i32
        %cond3A_310 = arith.cmpi ne, %convert_element_type3A_308, %cond3A_309 : i32
        scf.if %cond3A_310 {
          "tpu.trace_start"() <{level = 10 : i32, message = "ep_wait_in"}> : () -> ()
          %mul3A_479 = arith.constant 1 : i32
          %mul3A_480 = arith.muli %mul3A_479, %add3A_210 : i32
          %rem3A_481 = arith.constant 2 : i32
          %rem3A_482 = arith.remui %scan3A_200, %rem3A_481 : i32
          %dma_wait3A_483 = arith.constant 0 : i32
          %dma_wait3A_484 = arith.constant 0 : i32
          %dma_wait3A_485 = arith.constant 0 : i32
          %dma_wait3A_486 = tpu.memref_slice %run_scoped3A_12[%rem3A_482, %dma_wait3A_483, %dma_wait3A_484, %dma_wait3A_485] : memref<2x1x1x80xi32, #tpu.memory_space<vmem>> -> memref<1x1x1x80xi32, #tpu.memory_space<vmem>>
          %dma_wait3A_487 = tpu.memref_squeeze %dma_wait3A_486 : memref<1x1x1x80xi32, #tpu.memory_space<vmem>> -> memref<1x1x80xi32, #tpu.memory_space<vmem>>
          %dma_wait3A_488 = arith.constant 0 : i32
          %dma_wait3A_489 = arith.constant 0 : i32
          %dma_wait3A_490 = arith.constant 0 : i32
          %dma_wait3A_491 = tpu.memref_slice %arg2[%run_scoped3A_9, %dma_wait3A_488, %dma_wait3A_489, %dma_wait3A_490] : memref<2x40000x1x80xi32, #tpu.memory_space<hbm>> -> memref<1x40000x1x80xi32, #tpu.memory_space<hbm>>
          %dma_wait3A_492 = tpu.memref_squeeze %dma_wait3A_491 : memref<1x40000x1x80xi32, #tpu.memory_space<hbm>> -> memref<40000x1x80xi32, #tpu.memory_space<hbm>>
          %dma_wait3A_493 = arith.constant 0 : i32
          %dma_wait3A_494 = arith.constant 0 : i32
          %dma_wait3A_495 = tpu.memref_slice %dma_wait3A_492[%mul3A_480, %dma_wait3A_493, %dma_wait3A_494] : memref<40000x1x80xi32, #tpu.memory_space<hbm>> -> memref<1x1x80xi32, #tpu.memory_space<hbm>>
          %dma_wait3A_496 = tpu.memref_slice %run_scoped3A_13[%rem3A_482] : memref<2x!tpu.dma_semaphore, #tpu.memory_space<semaphore_mem>> -> memref<1x!tpu.dma_semaphore, #tpu.memory_space<semaphore_mem>>
          %dma_wait3A_497 = tpu.memref_squeeze %dma_wait3A_496 : memref<1x!tpu.dma_semaphore, #tpu.memory_space<semaphore_mem>> -> memref<!tpu.dma_semaphore, #tpu.memory_space<semaphore_mem>>
          %dma_wait3A_498 = arith.constant 0 : i32
          %dma_wait3A_499 = arith.constant 0 : i32
          %dma_wait3A_500 = arith.constant 0 : i32
          %dma_wait3A_501 = tpu.memref_slice %run_scoped3A_12[%rem3A_482, %dma_wait3A_498, %dma_wait3A_499, %dma_wait3A_500] : memref<2x1x1x80xi32, #tpu.memory_space<vmem>> -> memref<1x1x1x80xi32, #tpu.memory_space<vmem>>
          %dma_wait3A_502 = tpu.memref_squeeze %dma_wait3A_501 : memref<1x1x1x80xi32, #tpu.memory_space<vmem>> -> memref<1x1x80xi32, #tpu.memory_space<vmem>>
          %dma_wait3A_503 = arith.constant 0 : i32
          %dma_wait3A_504 = arith.constant 0 : i32
          %dma_wait3A_505 = arith.constant 0 : i32
          %dma_wait3A_506 = tpu.memref_slice %arg2[%run_scoped3A_9, %dma_wait3A_503, %dma_wait3A_504, %dma_wait3A_505] : memref<2x40000x1x80xi32, #tpu.memory_space<hbm>> -> memref<1x40000x1x80xi32, #tpu.memory_space<hbm>>
          %dma_wait3A_507 = tpu.memref_squeeze %dma_wait3A_506 : memref<1x40000x1x80xi32, #tpu.memory_space<hbm>> -> memref<40000x1x80xi32, #tpu.memory_space<hbm>>
          %dma_wait3A_508 = arith.constant 0 : i32
          %dma_wait3A_509 = arith.constant 0 : i32
          %dma_wait3A_510 = tpu.memref_slice %dma_wait3A_507[%mul3A_480, %dma_wait3A_508, %dma_wait3A_509] : memref<40000x1x80xi32, #tpu.memory_space<hbm>> -> memref<1x1x80xi32, #tpu.memory_space<hbm>>
          tpu.wait_dma2 semaphore(%dma_wait3A_497 : memref<!tpu.dma_semaphore, #tpu.memory_space<semaphore_mem>>) src(%dma_wait3A_510 : memref<1x1x80xi32, #tpu.memory_space<hbm>>) dst(%dma_wait3A_502 : memref<1x1x80xi32, #tpu.memory_space<vmem>>)
          "tpu.trace_stop"() : () -> ()
        } else {
        }
        %ne3A_311 = arith.cmpi ne, %add3A_210, %add3A_219 : i32
        %or3A_312 = arith.constant false
        %or3A_313 = arith.ori %or3A_312, %ne3A_311 : i1
        %or3A_314 = arith.ori %or3A_313, %eq3A_207 : i1
        %convert_element_type3A_315 = arith.extui %or3A_314 : i1 to i32
        %cond3A_316 = arith.constant 0 : i32
        %cond3A_317 = arith.cmpi ne, %convert_element_type3A_315, %cond3A_316 : i32
        scf.if %cond3A_317 {
        } else {
        }
        %ne3A_318 = arith.cmpi ne, %add3A_210, %add3A_219 : i32
        %or3A_319 = arith.constant false
        %or3A_320 = arith.ori %or3A_319, %ne3A_318 : i1
        %or3A_321 = arith.ori %or3A_320, %eq3A_207 : i1
        %convert_element_type3A_322 = arith.extui %or3A_321 : i1 to i32
        %cond3A_323 = arith.constant 0 : i32
        %cond3A_324 = arith.cmpi ne, %convert_element_type3A_322, %cond3A_323 : i32
        scf.if %cond3A_324 {
        } else {
        }
        %rem3A_325 = arith.constant 2 : i32
        %rem3A_326 = arith.remui %scan3A_198, %rem3A_325 : i32
        %rem3A_327 = arith.constant 2 : i32
        %rem3A_328 = arith.remui %scan3A_200, %rem3A_327 : i32
        %rem3A_329 = arith.constant 2 : i32
        %rem3A_330 = arith.remui %scan3A_201, %rem3A_329 : i32
        %mul3A_331 = arith.constant 80 : i32
        %mul3A_332 = arith.muli %rem3A_330, %mul3A_331 : i32
        %rem3A_333 = arith.constant 2 : i32
        %rem3A_334 = arith.remui %scan3A_203, %rem3A_333 : i32
        %mul3A_335 = arith.constant 80 : i32
        %mul3A_336 = arith.muli %rem3A_334, %mul3A_335 : i32
        %run_scoped3A_337 = arith.constant 0 : i32
        %run_scoped3A_338 = arith.constant 0 : i32
        "tpu.trace_start"() <{level = 10 : i32, message = "ep_run_kernel"}> : () -> ()
        "tpu.region"() ({
          %run_scoped3A_479 = tpu.sem_alloc : memref<!tpu.dma_semaphore, #tpu.memory_space<semaphore_mem>>
          %dma_start3A_480 = tpu.memref_slice %run_scoped3A_14[%mul3A_332] : memref<160xi32, #tpu.memory_space<vmem>> -> memref<80xi32, #tpu.memory_space<vmem>>
          %dma_start3A_481 = arith.constant 0 : i32
          %dma_start3A_482 = arith.constant 0 : i32
          %dma_start3A_483 = arith.constant 0 : i32
          %dma_start3A_484 = tpu.memref_slice %run_scoped3A_10[%rem3A_326, %dma_start3A_481, %dma_start3A_482, %dma_start3A_483] : memref<2x1x1x80xi32, #tpu.memory_space<vmem>> -> memref<1x1x1x80xi32, #tpu.memory_space<vmem>>
          %dma_start3A_485 = tpu.memref_squeeze %dma_start3A_484 : memref<1x1x1x80xi32, #tpu.memory_space<vmem>> -> memref<1x1x80xi32, #tpu.memory_space<vmem>>
          %dma_start3A_486 = arith.constant 0 : i32
          %dma_start3A_487 = tpu.memref_slice %dma_start3A_485[%run_scoped3A_337, %run_scoped3A_338, %dma_start3A_486] : memref<1x1x80xi32, #tpu.memory_space<vmem>> -> memref<1x1x80xi32, #tpu.memory_space<vmem>>
          %dma_start3A_488 = tpu.memref_squeeze %dma_start3A_487 : memref<1x1x80xi32, #tpu.memory_space<vmem>> -> memref<80xi32, #tpu.memory_space<vmem>>
          %dma_start3A_489 = arith.constant 0 : i32
          %dma_start3A_490 = tpu.memref_slice %arg6[%dma_start3A_489] : memref<102400xi32, #tpu.memory_space<vmem_shared>> -> memref<102400xi32, #tpu.memory_space<vmem_shared>>
          tpu.enqueue_indirect_dma source(%dma_start3A_490 : memref<102400xi32, #tpu.memory_space<vmem_shared>>) target(%dma_start3A_480 : memref<80xi32, #tpu.memory_space<vmem>>) offsets(%dma_start3A_488 : memref<80xi32, #tpu.memory_space<vmem>>) semaphore(%run_scoped3A_479 : memref<!tpu.dma_semaphore, #tpu.memory_space<semaphore_mem>>)
          %dma_wait3A_491 = tpu.memref_slice %run_scoped3A_14[%mul3A_332] : memref<160xi32, #tpu.memory_space<vmem>> -> memref<80xi32, #tpu.memory_space<vmem>>
          %dma_wait3A_492 = arith.constant 0 : i32
          %dma_wait3A_493 = arith.constant 0 : i32
          %dma_wait3A_494 = arith.constant 0 : i32
          %dma_wait3A_495 = tpu.memref_slice %run_scoped3A_10[%rem3A_326, %dma_wait3A_492, %dma_wait3A_493, %dma_wait3A_494] : memref<2x1x1x80xi32, #tpu.memory_space<vmem>> -> memref<1x1x1x80xi32, #tpu.memory_space<vmem>>
          %dma_wait3A_496 = tpu.memref_squeeze %dma_wait3A_495 : memref<1x1x1x80xi32, #tpu.memory_space<vmem>> -> memref<1x1x80xi32, #tpu.memory_space<vmem>>
          %dma_wait3A_497 = arith.constant 0 : i32
          %dma_wait3A_498 = tpu.memref_slice %dma_wait3A_496[%run_scoped3A_337, %run_scoped3A_338, %dma_wait3A_497] : memref<1x1x80xi32, #tpu.memory_space<vmem>> -> memref<1x1x80xi32, #tpu.memory_space<vmem>>
          %dma_wait3A_499 = tpu.memref_squeeze %dma_wait3A_498 : memref<1x1x80xi32, #tpu.memory_space<vmem>> -> memref<80xi32, #tpu.memory_space<vmem>>
          %dma_wait3A_500 = arith.constant 0 : i32
          %dma_wait3A_501 = tpu.memref_slice %arg6[%dma_wait3A_500] : memref<102400xi32, #tpu.memory_space<vmem_shared>> -> memref<102400xi32, #tpu.memory_space<vmem_shared>>
          tpu.wait_indirect_dma semaphore(%run_scoped3A_479 : memref<!tpu.dma_semaphore, #tpu.memory_space<semaphore_mem>>) src(%dma_wait3A_501 : memref<102400xi32, #tpu.memory_space<vmem_shared>>) dst(%dma_wait3A_491 : memref<80xi32, #tpu.memory_space<vmem>>)
          tpu.yield
        }) : () -> ()
        %run_scoped3A_339 = arith.constant 0 : i32
        %run_scoped3A_340 = arith.constant 0 : i32
        "tpu.region"() ({
          %run_scoped3A_479 = tpu.sem_alloc : memref<!tpu.dma_semaphore, #tpu.memory_space<semaphore_mem>>
          %dma_start3A_480 = tpu.memref_slice %run_scoped3A_16[%mul3A_336] : memref<160xi32, #tpu.memory_space<vmem>> -> memref<80xi32, #tpu.memory_space<vmem>>
          %dma_start3A_481 = arith.constant 0 : i32
          %dma_start3A_482 = arith.constant 0 : i32
          %dma_start3A_483 = arith.constant 0 : i32
          %dma_start3A_484 = tpu.memref_slice %run_scoped3A_12[%rem3A_328, %dma_start3A_481, %dma_start3A_482, %dma_start3A_483] : memref<2x1x1x80xi32, #tpu.memory_space<vmem>> -> memref<1x1x1x80xi32, #tpu.memory_space<vmem>>
          %dma_start3A_485 = tpu.memref_squeeze %dma_start3A_484 : memref<1x1x1x80xi32, #tpu.memory_space<vmem>> -> memref<1x1x80xi32, #tpu.memory_space<vmem>>
          %dma_start3A_486 = arith.constant 0 : i32
          %dma_start3A_487 = tpu.memref_slice %dma_start3A_485[%run_scoped3A_339, %run_scoped3A_340, %dma_start3A_486] : memref<1x1x80xi32, #tpu.memory_space<vmem>> -> memref<1x1x80xi32, #tpu.memory_space<vmem>>
          %dma_start3A_488 = tpu.memref_squeeze %dma_start3A_487 : memref<1x1x80xi32, #tpu.memory_space<vmem>> -> memref<80xi32, #tpu.memory_space<vmem>>
          %dma_start3A_489 = arith.constant 0 : i32
          %dma_start3A_490 = tpu.memref_slice %arg6[%dma_start3A_489] : memref<102400xi32, #tpu.memory_space<vmem_shared>> -> memref<102400xi32, #tpu.memory_space<vmem_shared>>
          tpu.enqueue_indirect_dma source(%dma_start3A_490 : memref<102400xi32, #tpu.memory_space<vmem_shared>>) target(%dma_start3A_480 : memref<80xi32, #tpu.memory_space<vmem>>) offsets(%dma_start3A_488 : memref<80xi32, #tpu.memory_space<vmem>>) semaphore(%run_scoped3A_479 : memref<!tpu.dma_semaphore, #tpu.memory_space<semaphore_mem>>)
          %dma_wait3A_491 = tpu.memref_slice %run_scoped3A_16[%mul3A_336] : memref<160xi32, #tpu.memory_space<vmem>> -> memref<80xi32, #tpu.memory_space<vmem>>
          %dma_wait3A_492 = arith.constant 0 : i32
          %dma_wait3A_493 = arith.constant 0 : i32
          %dma_wait3A_494 = arith.constant 0 : i32
          %dma_wait3A_495 = tpu.memref_slice %run_scoped3A_12[%rem3A_328, %dma_wait3A_492, %dma_wait3A_493, %dma_wait3A_494] : memref<2x1x1x80xi32, #tpu.memory_space<vmem>> -> memref<1x1x1x80xi32, #tpu.memory_space<vmem>>
          %dma_wait3A_496 = tpu.memref_squeeze %dma_wait3A_495 : memref<1x1x1x80xi32, #tpu.memory_space<vmem>> -> memref<1x1x80xi32, #tpu.memory_space<vmem>>
          %dma_wait3A_497 = arith.constant 0 : i32
          %dma_wait3A_498 = tpu.memref_slice %dma_wait3A_496[%run_scoped3A_339, %run_scoped3A_340, %dma_wait3A_497] : memref<1x1x80xi32, #tpu.memory_space<vmem>> -> memref<1x1x80xi32, #tpu.memory_space<vmem>>
          %dma_wait3A_499 = tpu.memref_squeeze %dma_wait3A_498 : memref<1x1x80xi32, #tpu.memory_space<vmem>> -> memref<80xi32, #tpu.memory_space<vmem>>
          %dma_wait3A_500 = arith.constant 0 : i32
          %dma_wait3A_501 = tpu.memref_slice %arg6[%dma_wait3A_500] : memref<102400xi32, #tpu.memory_space<vmem_shared>> -> memref<102400xi32, #tpu.memory_space<vmem_shared>>
          tpu.wait_indirect_dma semaphore(%run_scoped3A_479 : memref<!tpu.dma_semaphore, #tpu.memory_space<semaphore_mem>>) src(%dma_wait3A_501 : memref<102400xi32, #tpu.memory_space<vmem_shared>>) dst(%dma_wait3A_491 : memref<80xi32, #tpu.memory_space<vmem>>)
          tpu.yield
        }) : () -> ()
        "tpu.trace_stop"() : () -> ()
        %ne3A_341 = arith.cmpi ne, %add3A_210, %add3A_228 : i32
        %or3A_342 = arith.constant false
        %or3A_343 = arith.ori %or3A_342, %ne3A_341 : i1
        %or3A_344 = arith.constant false
        %or3A_345 = arith.ori %or3A_343, %or3A_344 : i1
        %or3A_346 = arith.constant false
        %or3A_347 = arith.ori %or3A_345, %or3A_346 : i1
        %or3A_348 = arith.ori %or3A_347, %eq3A_209 : i1
        %convert_element_type3A_349 = arith.extui %or3A_348 : i1 to i32
        %cond3A_350 = arith.constant 0 : i32
        %cond3A_351 = arith.cmpi ne, %convert_element_type3A_349, %cond3A_350 : i32
        scf.if %cond3A_351 {
        } else {
        }
        %and3A_352 = arith.constant false
        %and3A_353 = arith.andi %or3A_348, %and3A_352 : i1
        %ne3A_354 = arith.cmpi ne, %add3A_210, %add3A_228 : i32
        %or3A_355 = arith.constant false
        %or3A_356 = arith.ori %or3A_355, %ne3A_354 : i1
        %or3A_357 = arith.constant false
        %or3A_358 = arith.ori %or3A_356, %or3A_357 : i1
        %or3A_359 = arith.constant false
        %or3A_360 = arith.ori %or3A_358, %or3A_359 : i1
        %or3A_361 = arith.ori %or3A_360, %eq3A_209 : i1
        %convert_element_type3A_362 = arith.extui %or3A_361 : i1 to i32
        %cond3A_363 = arith.constant 0 : i32
        %cond3A_364 = arith.cmpi ne, %convert_element_type3A_362, %cond3A_363 : i32
        scf.if %cond3A_364 {
        } else {
        }
        %and3A_365 = arith.constant false
        %and3A_366 = arith.andi %or3A_361, %and3A_365 : i1
        %ne3A_367 = arith.cmpi ne, %add3A_210, %add3A_228 : i32
        %or3A_368 = arith.constant false
        %or3A_369 = arith.ori %or3A_368, %ne3A_367 : i1
        %or3A_370 = arith.ori %or3A_369, %eq3A_209 : i1
        %convert_element_type3A_371 = arith.extui %or3A_370 : i1 to i32
        %cond3A_372 = arith.constant 0 : i32
        %cond3A_373 = arith.cmpi ne, %convert_element_type3A_371, %cond3A_372 : i32
        scf.if %cond3A_373 {
          "tpu.trace_start"() <{level = 10 : i32, message = "ep_copy_out"}> : () -> ()
          %rem3A_479 = arith.constant 2 : i32
          %rem3A_480 = arith.remui %scan3A_201, %rem3A_479 : i32
          %mul3A_481 = arith.constant 80 : i32
          %mul3A_482 = arith.muli %mul3A_481, %add3A_210 : i32
          %mul3A_483 = arith.constant 80 : i32
          %mul3A_484 = arith.muli %rem3A_480, %mul3A_483 : i32
          %add3A_485 = arith.constant 0 : i32
          %add3A_486 = arith.addi %mul3A_484, %add3A_485 : i32
          %dma_start3A_487 = tpu.memref_slice %run_scoped3A_14[%add3A_486] : memref<160xi32, #tpu.memory_space<vmem>> -> memref<80xi32, #tpu.memory_space<vmem>>
          %dma_start3A_488 = tpu.memref_slice %arg4[%mul3A_482] : memref<3200000xi32, #tpu.memory_space<hbm>> -> memref<80xi32, #tpu.memory_space<hbm>>
          %dma_start3A_489 = tpu.memref_slice %run_scoped3A_15[%rem3A_480] : memref<2x!tpu.dma_semaphore, #tpu.memory_space<semaphore_mem>> -> memref<1x!tpu.dma_semaphore, #tpu.memory_space<semaphore_mem>>
          %dma_start3A_490 = tpu.memref_squeeze %dma_start3A_489 : memref<1x!tpu.dma_semaphore, #tpu.memory_space<semaphore_mem>> -> memref<!tpu.dma_semaphore, #tpu.memory_space<semaphore_mem>>
          %dma_start3A_491 = tpu.memref_slice %arg4[%mul3A_482] : memref<3200000xi32, #tpu.memory_space<hbm>> -> memref<80xi32, #tpu.memory_space<hbm>>
          %dma_start3A_492 = tpu.memref_slice %run_scoped3A_14[%add3A_486] : memref<160xi32, #tpu.memory_space<vmem>> -> memref<80xi32, #tpu.memory_space<vmem>>
          tpu.enqueue_dma source(%dma_start3A_492 : memref<80xi32, #tpu.memory_space<vmem>>) target(%dma_start3A_491 : memref<80xi32, #tpu.memory_space<hbm>>) target_semaphore(%dma_start3A_490 : memref<!tpu.dma_semaphore, #tpu.memory_space<semaphore_mem>>)
          "tpu.trace_stop"() : () -> ()
        } else {
        }
        %and3A_374 = arith.constant true
        %and3A_375 = arith.andi %or3A_370, %and3A_374 : i1
        %add3A_376 = arith.constant 1 : i32
        %add3A_377 = arith.addi %scan3A_201, %add3A_376 : i32
        %select_n3A_378 = arith.select %and3A_375, %add3A_377, %scan3A_201 : i32
        %ne3A_379 = arith.cmpi ne, %add3A_210, %add3A_228 : i32
        %or3A_380 = arith.constant false
        %or3A_381 = arith.ori %or3A_380, %ne3A_379 : i1
        %or3A_382 = arith.ori %or3A_381, %eq3A_209 : i1
        %convert_element_type3A_383 = arith.extui %or3A_382 : i1 to i32
        %cond3A_384 = arith.constant 0 : i32
        %cond3A_385 = arith.cmpi ne, %convert_element_type3A_383, %cond3A_384 : i32
        scf.if %cond3A_385 {
          "tpu.trace_start"() <{level = 10 : i32, message = "ep_copy_out"}> : () -> ()
          %rem3A_479 = arith.constant 2 : i32
          %rem3A_480 = arith.remui %scan3A_203, %rem3A_479 : i32
          %mul3A_481 = arith.constant 80 : i32
          %mul3A_482 = arith.muli %mul3A_481, %add3A_210 : i32
          %mul3A_483 = arith.constant 80 : i32
          %mul3A_484 = arith.muli %rem3A_480, %mul3A_483 : i32
          %add3A_485 = arith.constant 0 : i32
          %add3A_486 = arith.addi %mul3A_484, %add3A_485 : i32
          %dma_start3A_487 = tpu.memref_slice %run_scoped3A_16[%add3A_486] : memref<160xi32, #tpu.memory_space<vmem>> -> memref<80xi32, #tpu.memory_space<vmem>>
          %dma_start3A_488 = tpu.memref_slice %arg5[%mul3A_482] : memref<3200000xi32, #tpu.memory_space<hbm>> -> memref<80xi32, #tpu.memory_space<hbm>>
          %dma_start3A_489 = tpu.memref_slice %run_scoped3A_17[%rem3A_480] : memref<2x!tpu.dma_semaphore, #tpu.memory_space<semaphore_mem>> -> memref<1x!tpu.dma_semaphore, #tpu.memory_space<semaphore_mem>>
          %dma_start3A_490 = tpu.memref_squeeze %dma_start3A_489 : memref<1x!tpu.dma_semaphore, #tpu.memory_space<semaphore_mem>> -> memref<!tpu.dma_semaphore, #tpu.memory_space<semaphore_mem>>
          %dma_start3A_491 = tpu.memref_slice %arg5[%mul3A_482] : memref<3200000xi32, #tpu.memory_space<hbm>> -> memref<80xi32, #tpu.memory_space<hbm>>
          %dma_start3A_492 = tpu.memref_slice %run_scoped3A_16[%add3A_486] : memref<160xi32, #tpu.memory_space<vmem>> -> memref<80xi32, #tpu.memory_space<vmem>>
          tpu.enqueue_dma source(%dma_start3A_492 : memref<80xi32, #tpu.memory_space<vmem>>) target(%dma_start3A_491 : memref<80xi32, #tpu.memory_space<hbm>>) target_semaphore(%dma_start3A_490 : memref<!tpu.dma_semaphore, #tpu.memory_space<semaphore_mem>>)
          "tpu.trace_stop"() : () -> ()
        } else {
        }
        %and3A_386 = arith.constant true
        %and3A_387 = arith.andi %or3A_382, %and3A_386 : i1
        %add3A_388 = arith.constant 1 : i32
        %add3A_389 = arith.addi %scan3A_203, %add3A_388 : i32
        %select_n3A_390 = arith.select %and3A_387, %add3A_389, %scan3A_203 : i32
        %ne3A_391 = arith.cmpi ne, %add3A_210, %add3A_219 : i32
        %or3A_392 = arith.constant false
        %or3A_393 = arith.ori %or3A_392, %ne3A_391 : i1
        %or3A_394 = arith.constant false
        %or3A_395 = arith.ori %or3A_393, %or3A_394 : i1
        %or3A_396 = arith.constant false
        %or3A_397 = arith.ori %or3A_395, %or3A_396 : i1
        %not3A_398 = arith.constant true
        %not3A_399 = arith.xori %eq3A_207, %not3A_398 : i1
        %and3A_400 = arith.andi %or3A_397, %not3A_399 : i1
        %convert_element_type3A_401 = arith.extui %and3A_400 : i1 to i32
        %cond3A_402 = arith.constant 0 : i32
        %cond3A_403 = arith.cmpi ne, %convert_element_type3A_401, %cond3A_402 : i32
        scf.if %cond3A_403 {
        } else {
        }
        %and3A_404 = arith.constant false
        %and3A_405 = arith.andi %and3A_400, %and3A_404 : i1
        %ne3A_406 = arith.cmpi ne, %add3A_210, %add3A_219 : i32
        %or3A_407 = arith.constant false
        %or3A_408 = arith.ori %or3A_407, %ne3A_406 : i1
        %or3A_409 = arith.constant false
        %or3A_410 = arith.ori %or3A_408, %or3A_409 : i1
        %or3A_411 = arith.constant false
        %or3A_412 = arith.ori %or3A_410, %or3A_411 : i1
        %not3A_413 = arith.constant true
        %not3A_414 = arith.xori %eq3A_207, %not3A_413 : i1
        %and3A_415 = arith.andi %or3A_412, %not3A_414 : i1
        %convert_element_type3A_416 = arith.extui %and3A_415 : i1 to i32
        %cond3A_417 = arith.constant 0 : i32
        %cond3A_418 = arith.cmpi ne, %convert_element_type3A_416, %cond3A_417 : i32
        scf.if %cond3A_418 {
        } else {
        }
        %and3A_419 = arith.constant false
        %and3A_420 = arith.andi %and3A_415, %and3A_419 : i1
        %ne3A_421 = arith.cmpi ne, %add3A_210, %add3A_219 : i32
        %or3A_422 = arith.constant false
        %or3A_423 = arith.ori %or3A_422, %ne3A_421 : i1
        %not3A_424 = arith.constant true
        %not3A_425 = arith.xori %eq3A_207, %not3A_424 : i1
        %and3A_426 = arith.andi %or3A_423, %not3A_425 : i1
        %convert_element_type3A_427 = arith.extui %and3A_426 : i1 to i32
        %cond3A_428 = arith.constant 0 : i32
        %cond3A_429 = arith.cmpi ne, %convert_element_type3A_427, %cond3A_428 : i32
        scf.if %cond3A_429 {
          "tpu.trace_start"() <{level = 10 : i32, message = "ep_wait_out"}> : () -> ()
          %rem3A_479 = arith.constant 2 : i32
          %rem3A_480 = arith.remui %scan3A_202, %rem3A_479 : i32
          %mul3A_481 = arith.constant 80 : i32
          %mul3A_482 = arith.muli %mul3A_481, %add3A_219 : i32
          %mul3A_483 = arith.constant 80 : i32
          %mul3A_484 = arith.muli %rem3A_480, %mul3A_483 : i32
          %add3A_485 = arith.constant 0 : i32
          %add3A_486 = arith.addi %mul3A_484, %add3A_485 : i32
          %dma_wait3A_487 = tpu.memref_slice %run_scoped3A_14[%add3A_486] : memref<160xi32, #tpu.memory_space<vmem>> -> memref<80xi32, #tpu.memory_space<vmem>>
          %dma_wait3A_488 = tpu.memref_slice %arg4[%mul3A_482] : memref<3200000xi32, #tpu.memory_space<hbm>> -> memref<80xi32, #tpu.memory_space<hbm>>
          %dma_wait3A_489 = tpu.memref_slice %run_scoped3A_15[%rem3A_480] : memref<2x!tpu.dma_semaphore, #tpu.memory_space<semaphore_mem>> -> memref<1x!tpu.dma_semaphore, #tpu.memory_space<semaphore_mem>>
          %dma_wait3A_490 = tpu.memref_squeeze %dma_wait3A_489 : memref<1x!tpu.dma_semaphore, #tpu.memory_space<semaphore_mem>> -> memref<!tpu.dma_semaphore, #tpu.memory_space<semaphore_mem>>
          %dma_wait3A_491 = tpu.memref_slice %arg4[%mul3A_482] : memref<3200000xi32, #tpu.memory_space<hbm>> -> memref<80xi32, #tpu.memory_space<hbm>>
          %dma_wait3A_492 = tpu.memref_slice %run_scoped3A_14[%add3A_486] : memref<160xi32, #tpu.memory_space<vmem>> -> memref<80xi32, #tpu.memory_space<vmem>>
          tpu.wait_dma2 semaphore(%dma_wait3A_490 : memref<!tpu.dma_semaphore, #tpu.memory_space<semaphore_mem>>) src(%dma_wait3A_492 : memref<80xi32, #tpu.memory_space<vmem>>) dst(%dma_wait3A_491 : memref<80xi32, #tpu.memory_space<hbm>>)
          "tpu.trace_stop"() : () -> ()
        } else {
        }
        %and3A_430 = arith.constant true
        %and3A_431 = arith.andi %and3A_426, %and3A_430 : i1
        %add3A_432 = arith.constant 1 : i32
        %add3A_433 = arith.addi %scan3A_202, %add3A_432 : i32
        %select_n3A_434 = arith.select %and3A_431, %add3A_433, %scan3A_202 : i32
        %ne3A_435 = arith.cmpi ne, %add3A_210, %add3A_219 : i32
        %or3A_436 = arith.constant false
        %or3A_437 = arith.ori %or3A_436, %ne3A_435 : i1
        %not3A_438 = arith.constant true
        %not3A_439 = arith.xori %eq3A_207, %not3A_438 : i1
        %and3A_440 = arith.andi %or3A_437, %not3A_439 : i1
        %convert_element_type3A_441 = arith.extui %and3A_440 : i1 to i32
        %cond3A_442 = arith.constant 0 : i32
        %cond3A_443 = arith.cmpi ne, %convert_element_type3A_441, %cond3A_442 : i32
        scf.if %cond3A_443 {
          "tpu.trace_start"() <{level = 10 : i32, message = "ep_wait_out"}> : () -> ()
          %rem3A_479 = arith.constant 2 : i32
          %rem3A_480 = arith.remui %scan3A_204, %rem3A_479 : i32
          %mul3A_481 = arith.constant 80 : i32
          %mul3A_482 = arith.muli %mul3A_481, %add3A_219 : i32
          %mul3A_483 = arith.constant 80 : i32
          %mul3A_484 = arith.muli %rem3A_480, %mul3A_483 : i32
          %add3A_485 = arith.constant 0 : i32
          %add3A_486 = arith.addi %mul3A_484, %add3A_485 : i32
          %dma_wait3A_487 = tpu.memref_slice %run_scoped3A_16[%add3A_486] : memref<160xi32, #tpu.memory_space<vmem>> -> memref<80xi32, #tpu.memory_space<vmem>>
          %dma_wait3A_488 = tpu.memref_slice %arg5[%mul3A_482] : memref<3200000xi32, #tpu.memory_space<hbm>> -> memref<80xi32, #tpu.memory_space<hbm>>
          %dma_wait3A_489 = tpu.memref_slice %run_scoped3A_17[%rem3A_480] : memref<2x!tpu.dma_semaphore, #tpu.memory_space<semaphore_mem>> -> memref<1x!tpu.dma_semaphore, #tpu.memory_space<semaphore_mem>>
          %dma_wait3A_490 = tpu.memref_squeeze %dma_wait3A_489 : memref<1x!tpu.dma_semaphore, #tpu.memory_space<semaphore_mem>> -> memref<!tpu.dma_semaphore, #tpu.memory_space<semaphore_mem>>
          %dma_wait3A_491 = tpu.memref_slice %arg5[%mul3A_482] : memref<3200000xi32, #tpu.memory_space<hbm>> -> memref<80xi32, #tpu.memory_space<hbm>>
          %dma_wait3A_492 = tpu.memref_slice %run_scoped3A_16[%add3A_486] : memref<160xi32, #tpu.memory_space<vmem>> -> memref<80xi32, #tpu.memory_space<vmem>>
          tpu.wait_dma2 semaphore(%dma_wait3A_490 : memref<!tpu.dma_semaphore, #tpu.memory_space<semaphore_mem>>) src(%dma_wait3A_492 : memref<80xi32, #tpu.memory_space<vmem>>) dst(%dma_wait3A_491 : memref<80xi32, #tpu.memory_space<hbm>>)
          "tpu.trace_stop"() : () -> ()
        } else {
        }
        %and3A_444 = arith.constant true
        %and3A_445 = arith.andi %and3A_440, %and3A_444 : i1
        %add3A_446 = arith.constant 1 : i32
        %add3A_447 = arith.addi %scan3A_204, %add3A_446 : i32
        %select_n3A_448 = arith.select %and3A_445, %add3A_447, %scan3A_204 : i32
        %ne3A_449 = arith.cmpi ne, %add3A_210, %add3A_228 : i32
        %or3A_450 = arith.constant false
        %or3A_451 = arith.ori %or3A_450, %ne3A_449 : i1
        %or3A_452 = arith.constant false
        %or3A_453 = arith.ori %or3A_451, %or3A_452 : i1
        %or3A_454 = arith.constant false
        %or3A_455 = arith.ori %or3A_453, %or3A_454 : i1
        %or3A_456 = arith.ori %or3A_455, %eq3A_209 : i1
        %add3A_457 = arith.constant 1 : i32
        %add3A_458 = arith.addi %scan3A_198, %add3A_457 : i32
        %select_n3A_459 = arith.select %or3A_456, %add3A_458, %scan3A_198 : i32
        %ne3A_460 = arith.cmpi ne, %add3A_210, %add3A_228 : i32
        %or3A_461 = arith.constant false
        %or3A_462 = arith.ori %or3A_461, %ne3A_460 : i1
        %or3A_463 = arith.constant false
        %or3A_464 = arith.ori %or3A_462, %or3A_463 : i1
        %or3A_465 = arith.constant false
        %or3A_466 = arith.ori %or3A_464, %or3A_465 : i1
        %or3A_467 = arith.ori %or3A_466, %eq3A_209 : i1
        %add3A_468 = arith.constant 1 : i32
        %add3A_469 = arith.addi %scan3A_200, %add3A_468 : i32
        %select_n3A_470 = arith.select %or3A_467, %add3A_469, %scan3A_200 : i32
        %add3A_471 = arith.constant 1 : i32
        %add3A_472 = arith.addi %scan3A_205, %add3A_471 : i32
        %select_n3A_473 = arith.constant true
        %select_n3A_474 = arith.select %select_n3A_473, %add3A_472, %scan3A_205 : i32
        %eq3A_475 = arith.constant 1250 : i32
        %eq3A_476 = arith.cmpi eq, %select_n3A_474, %eq3A_475 : i32
        %select_n3A_477 = arith.constant 0 : i32
        %select_n3A_478 = arith.select %eq3A_476, %select_n3A_477, %select_n3A_474 : i32
        scf.yield %select_n3A_252, %select_n3A_459, %select_n3A_272, %select_n3A_470, %select_n3A_378, %select_n3A_434, %select_n3A_390, %select_n3A_448, %select_n3A_478 : i32, i32, i32, i32, i32, i32, i32, i32, i32
      }
      %scan3A_133 = arith.constant 1250 : i32
      %sub3A = arith.constant 1 : i32
      %sub3A_134 = arith.subi %scan3A_132#8, %sub3A : i32
      %select_n3A_135 = arith.constant true
      %select_n3A_136 = arith.select %select_n3A_135, %sub3A_134, %scan3A_132#8 : i32
      %eq3A_137 = arith.constant -1 : i32
      %eq3A_138 = arith.cmpi eq, %select_n3A_136, %eq3A_137 : i32
      %select_n3A_139 = arith.constant 1249 : i32
      %select_n3A_140 = arith.select %eq3A_138, %select_n3A_139, %select_n3A_136 : i32
      %add3A_141 = arith.addi %select_n3A_140, %mul3A_8 : i32
      %sub3A_142 = arith.constant 1 : i32
      %sub3A_143 = arith.subi %select_n3A_140, %sub3A_142 : i32
      %select_n3A_144 = arith.constant true
      %select_n3A_145 = arith.select %select_n3A_144, %sub3A_143, %select_n3A_140 : i32
      %eq3A_146 = arith.constant -1 : i32
      %eq3A_147 = arith.cmpi eq, %select_n3A_145, %eq3A_146 : i32
      %select_n3A_148 = arith.constant 1249 : i32
      %select_n3A_149 = arith.select %eq3A_147, %select_n3A_148, %select_n3A_145 : i32
      %add3A_150 = arith.addi %select_n3A_149, %mul3A_8 : i32
      %add3A_151 = arith.constant 1 : i32
      %add3A_152 = arith.addi %select_n3A_140, %add3A_151 : i32
      %select_n3A_153 = arith.constant true
      %select_n3A_154 = arith.select %select_n3A_153, %add3A_152, %select_n3A_140 : i32
      %eq3A_155 = arith.constant 1250 : i32
      %eq3A_156 = arith.cmpi eq, %select_n3A_154, %eq3A_155 : i32
      %select_n3A_157 = arith.constant 0 : i32
      %select_n3A_158 = arith.select %eq3A_156, %select_n3A_157, %select_n3A_154 : i32
      %add3A_159 = arith.addi %select_n3A_158, %mul3A_8 : i32
      %add3A_160 = arith.constant 1 : i32
      %add3A_161 = arith.addi %select_n3A_158, %add3A_160 : i32
      %select_n3A_162 = arith.constant true
      %select_n3A_163 = arith.select %select_n3A_162, %add3A_161, %select_n3A_158 : i32
      %eq3A_164 = arith.constant 1250 : i32
      %eq3A_165 = arith.cmpi eq, %select_n3A_163, %eq3A_164 : i32
      %select_n3A_166 = arith.constant 0 : i32
      %select_n3A_167 = arith.select %eq3A_165, %select_n3A_166, %select_n3A_163 : i32
      %add3A_168 = arith.addi %select_n3A_167, %mul3A_8 : i32
      "tpu.trace_start"() <{level = 10 : i32, message = "ep_finalize"}> : () -> ()
      %rem3A_169 = arith.constant 2 : i32
      %rem3A_170 = arith.remui %scan3A_132#5, %rem3A_169 : i32
      %mul3A_171 = arith.constant 80 : i32
      %mul3A_172 = arith.muli %mul3A_171, %add3A_141 : i32
      %mul3A_173 = arith.constant 80 : i32
      %mul3A_174 = arith.muli %rem3A_170, %mul3A_173 : i32
      %add3A_175 = arith.constant 0 : i32
      %add3A_176 = arith.addi %mul3A_174, %add3A_175 : i32
      %dma_wait3A = tpu.memref_slice %run_scoped3A_14[%add3A_176] : memref<160xi32, #tpu.memory_space<vmem>> -> memref<80xi32, #tpu.memory_space<vmem>>
      %dma_wait3A_177 = tpu.memref_slice %arg4[%mul3A_172] : memref<3200000xi32, #tpu.memory_space<hbm>> -> memref<80xi32, #tpu.memory_space<hbm>>
      %dma_wait3A_178 = tpu.memref_slice %run_scoped3A_15[%rem3A_170] : memref<2x!tpu.dma_semaphore, #tpu.memory_space<semaphore_mem>> -> memref<1x!tpu.dma_semaphore, #tpu.memory_space<semaphore_mem>>
      %dma_wait3A_179 = tpu.memref_squeeze %dma_wait3A_178 : memref<1x!tpu.dma_semaphore, #tpu.memory_space<semaphore_mem>> -> memref<!tpu.dma_semaphore, #tpu.memory_space<semaphore_mem>>
      %dma_wait3A_180 = tpu.memref_slice %arg4[%mul3A_172] : memref<3200000xi32, #tpu.memory_space<hbm>> -> memref<80xi32, #tpu.memory_space<hbm>>
      %dma_wait3A_181 = tpu.memref_slice %run_scoped3A_14[%add3A_176] : memref<160xi32, #tpu.memory_space<vmem>> -> memref<80xi32, #tpu.memory_space<vmem>>
      tpu.wait_dma2 semaphore(%dma_wait3A_179 : memref<!tpu.dma_semaphore, #tpu.memory_space<semaphore_mem>>) src(%dma_wait3A_181 : memref<80xi32, #tpu.memory_space<vmem>>) dst(%dma_wait3A_180 : memref<80xi32, #tpu.memory_space<hbm>>)
      %rem3A_182 = arith.constant 2 : i32
      %rem3A_183 = arith.remui %scan3A_132#7, %rem3A_182 : i32
      %mul3A_184 = arith.constant 80 : i32
      %mul3A_185 = arith.muli %mul3A_184, %add3A_141 : i32
      %mul3A_186 = arith.constant 80 : i32
      %mul3A_187 = arith.muli %rem3A_183, %mul3A_186 : i32
      %add3A_188 = arith.constant 0 : i32
      %add3A_189 = arith.addi %mul3A_187, %add3A_188 : i32
      %dma_wait3A_190 = tpu.memref_slice %run_scoped3A_16[%add3A_189] : memref<160xi32, #tpu.memory_space<vmem>> -> memref<80xi32, #tpu.memory_space<vmem>>
      %dma_wait3A_191 = tpu.memref_slice %arg5[%mul3A_185] : memref<3200000xi32, #tpu.memory_space<hbm>> -> memref<80xi32, #tpu.memory_space<hbm>>
      %dma_wait3A_192 = tpu.memref_slice %run_scoped3A_17[%rem3A_183] : memref<2x!tpu.dma_semaphore, #tpu.memory_space<semaphore_mem>> -> memref<1x!tpu.dma_semaphore, #tpu.memory_space<semaphore_mem>>
      %dma_wait3A_193 = tpu.memref_squeeze %dma_wait3A_192 : memref<1x!tpu.dma_semaphore, #tpu.memory_space<semaphore_mem>> -> memref<!tpu.dma_semaphore, #tpu.memory_space<semaphore_mem>>
      %dma_wait3A_194 = tpu.memref_slice %arg5[%mul3A_185] : memref<3200000xi32, #tpu.memory_space<hbm>> -> memref<80xi32, #tpu.memory_space<hbm>>
      %dma_wait3A_195 = tpu.memref_slice %run_scoped3A_16[%add3A_189] : memref<160xi32, #tpu.memory_space<vmem>> -> memref<80xi32, #tpu.memory_space<vmem>>
      tpu.wait_dma2 semaphore(%dma_wait3A_193 : memref<!tpu.dma_semaphore, #tpu.memory_space<semaphore_mem>>) src(%dma_wait3A_195 : memref<80xi32, #tpu.memory_space<vmem>>) dst(%dma_wait3A_194 : memref<80xi32, #tpu.memory_space<hbm>>)
      "tpu.trace_stop"() : () -> ()
      tpu.yield
    }) : () -> ()
    return
  }
}

#map = affine_map<(d0, d1) -> (0, 0, 0, 0)>
#map1 = affine_map<(d0, d1) -> (0, 0, 0)>
#map2 = affine_map<(d0, d1) -> (0)>
module attributes {stable_mosaic.version = 14 : i64} {
  func.func @k(%arg0: i32, %arg1: i32, %arg2: memref<2x40000x1x80xi32, #tpu.memory_space<hbm>>, %arg3: memref<40000x1x80xf32, #tpu.memory_space<hbm>>, %arg4: memref<102400xf32, #tpu.memory_space<hbm>>, %arg5: memref<204800xf32, #tpu.memory_space<hbm>>, %arg6: memref<102400xf32, #tpu.memory_space<vmem_shared>>, %arg7: memref<125x1x80xi32, #tpu.memory_space<vmem>>, %arg8: memref<125x1x80xf32, #tpu.memory_space<vmem>>) attributes {dimension_semantics = [#tpu.dimension_semantics<core_parallel>, #tpu.dimension_semantics<subcore_parallel>], iteration_bounds = array<i64: 2, 16>, scalar_prefetch = 0 : i64, scratch_operands = 3 : i64, tpu.core_type = #tpu.core_type<sc_vector_subcore>, window_params = [{transform_indices = #map}, {transform_indices = #map1}, {transform_indices = #map2}, {transform_indices = #map2}]} {
    %mul3A = arith.constant 16 : i32
    %mul3A_0 = arith.muli %arg0, %mul3A : i32
    %add3A = arith.addi %mul3A_0, %arg1 : i32
    %eq3A = arith.constant 0 : i32
    %eq3A_1 = arith.cmpi eq, %arg1, %eq3A : i32
    %convert_element_type3A = arith.extui %eq3A_1 : i1 to i32
    %cond3A = arith.constant 0 : i32
    %cond3A_2 = arith.cmpi ne, %convert_element_type3A, %cond3A : i32
    scf.if %cond3A_2 {
      "tpu.region"() ({
        %run_scoped3A = tpu.sem_alloc : memref<!tpu.dma_semaphore, #tpu.memory_space<semaphore_mem>>
        tpu.enqueue_dma source(%arg4 : memref<102400xf32, #tpu.memory_space<hbm>>) target(%arg6 : memref<102400xf32, #tpu.memory_space<vmem_shared>>) target_semaphore(%run_scoped3A : memref<!tpu.dma_semaphore, #tpu.memory_space<semaphore_mem>>)
        tpu.wait_dma2 semaphore(%run_scoped3A : memref<!tpu.dma_semaphore, #tpu.memory_space<semaphore_mem>>) src(%arg4 : memref<102400xf32, #tpu.memory_space<hbm>>) dst(%arg6 : memref<102400xf32, #tpu.memory_space<vmem_shared>>)
        tpu.yield
      }) : () -> ()
    } else {
    }
    %barrier3A = arith.constant 0 : index
    tpu.barrier barrier_id(%barrier3A)
    %mul3A_3 = arith.constant 1250 : i32
    %mul3A_4 = arith.muli %add3A, %mul3A_3 : i32
    %scan3A = arith.constant 1 : i32
    %scan3A_5 = arith.constant 0 : i32
    %scan3A_6 = arith.constant 10 : i32
    %scan3A_7 = arith.addi %scan3A_5, %scan3A_6 : i32
    %scan3A_8 = arith.constant 1 : i32
    scf.for %scan3A_16 = %scan3A_5 to %scan3A_7 step %scan3A_8  : i32 {
      %mul3A_17 = arith.constant 1 : i32
      %mul3A_18 = arith.muli %scan3A_16, %mul3A_17 : i32
      %add3A_19 = arith.constant 0 : i32
      %add3A_20 = arith.addi %add3A_19, %mul3A_18 : i32
      %mul3A_21 = arith.constant 125 : i32
      %mul3A_22 = arith.muli %add3A_20, %mul3A_21 : i32
      %add3A_23 = arith.addi %mul3A_4, %mul3A_22 : i32
      "tpu.region"() ({
        %run_scoped3A = tpu.sem_alloc : memref<!tpu.dma_semaphore, #tpu.memory_space<semaphore_mem>>
        %dma_start3A = arith.constant 0 : i32
        %dma_start3A_29 = arith.constant 0 : i32
        %dma_start3A_30 = arith.constant 0 : i32
        %dma_start3A_31 = tpu.memref_slice %arg2[%scan3A, %dma_start3A, %dma_start3A_29, %dma_start3A_30] : memref<2x40000x1x80xi32, #tpu.memory_space<hbm>> -> memref<1x40000x1x80xi32, #tpu.memory_space<hbm>>
        %dma_start3A_32 = tpu.memref_squeeze %dma_start3A_31 : memref<1x40000x1x80xi32, #tpu.memory_space<hbm>> -> memref<40000x1x80xi32, #tpu.memory_space<hbm>>
        %dma_start3A_33 = arith.constant 0 : i32
        %dma_start3A_34 = arith.constant 0 : i32
        %dma_start3A_35 = tpu.memref_slice %dma_start3A_32[%add3A_23, %dma_start3A_33, %dma_start3A_34] : memref<40000x1x80xi32, #tpu.memory_space<hbm>> -> memref<125x1x80xi32, #tpu.memory_space<hbm>>
        %dma_start3A_36 = arith.constant 0 : i32
        %dma_start3A_37 = arith.constant 0 : i32
        %dma_start3A_38 = arith.constant 0 : i32
        %dma_start3A_39 = tpu.memref_slice %arg2[%scan3A, %dma_start3A_36, %dma_start3A_37, %dma_start3A_38] : memref<2x40000x1x80xi32, #tpu.memory_space<hbm>> -> memref<1x40000x1x80xi32, #tpu.memory_space<hbm>>
        %dma_start3A_40 = tpu.memref_squeeze %dma_start3A_39 : memref<1x40000x1x80xi32, #tpu.memory_space<hbm>> -> memref<40000x1x80xi32, #tpu.memory_space<hbm>>
        %dma_start3A_41 = arith.constant 0 : i32
        %dma_start3A_42 = arith.constant 0 : i32
        %dma_start3A_43 = tpu.memref_slice %dma_start3A_40[%add3A_23, %dma_start3A_41, %dma_start3A_42] : memref<40000x1x80xi32, #tpu.memory_space<hbm>> -> memref<125x1x80xi32, #tpu.memory_space<hbm>>
        tpu.enqueue_dma source(%dma_start3A_43 : memref<125x1x80xi32, #tpu.memory_space<hbm>>) target(%arg7 : memref<125x1x80xi32, #tpu.memory_space<vmem>>) target_semaphore(%run_scoped3A : memref<!tpu.dma_semaphore, #tpu.memory_space<semaphore_mem>>)
        %dma_wait3A = arith.constant 0 : i32
        %dma_wait3A_44 = arith.constant 0 : i32
        %dma_wait3A_45 = arith.constant 0 : i32
        %dma_wait3A_46 = tpu.memref_slice %arg2[%scan3A, %dma_wait3A, %dma_wait3A_44, %dma_wait3A_45] : memref<2x40000x1x80xi32, #tpu.memory_space<hbm>> -> memref<1x40000x1x80xi32, #tpu.memory_space<hbm>>
        %dma_wait3A_47 = tpu.memref_squeeze %dma_wait3A_46 : memref<1x40000x1x80xi32, #tpu.memory_space<hbm>> -> memref<40000x1x80xi32, #tpu.memory_space<hbm>>
        %dma_wait3A_48 = arith.constant 0 : i32
        %dma_wait3A_49 = arith.constant 0 : i32
        %dma_wait3A_50 = tpu.memref_slice %dma_wait3A_47[%add3A_23, %dma_wait3A_48, %dma_wait3A_49] : memref<40000x1x80xi32, #tpu.memory_space<hbm>> -> memref<125x1x80xi32, #tpu.memory_space<hbm>>
        %dma_wait3A_51 = arith.constant 0 : i32
        %dma_wait3A_52 = arith.constant 0 : i32
        %dma_wait3A_53 = arith.constant 0 : i32
        %dma_wait3A_54 = tpu.memref_slice %arg2[%scan3A, %dma_wait3A_51, %dma_wait3A_52, %dma_wait3A_53] : memref<2x40000x1x80xi32, #tpu.memory_space<hbm>> -> memref<1x40000x1x80xi32, #tpu.memory_space<hbm>>
        %dma_wait3A_55 = tpu.memref_squeeze %dma_wait3A_54 : memref<1x40000x1x80xi32, #tpu.memory_space<hbm>> -> memref<40000x1x80xi32, #tpu.memory_space<hbm>>
        %dma_wait3A_56 = arith.constant 0 : i32
        %dma_wait3A_57 = arith.constant 0 : i32
        %dma_wait3A_58 = tpu.memref_slice %dma_wait3A_55[%add3A_23, %dma_wait3A_56, %dma_wait3A_57] : memref<40000x1x80xi32, #tpu.memory_space<hbm>> -> memref<125x1x80xi32, #tpu.memory_space<hbm>>
        tpu.wait_dma2 semaphore(%run_scoped3A : memref<!tpu.dma_semaphore, #tpu.memory_space<semaphore_mem>>) src(%dma_wait3A_58 : memref<125x1x80xi32, #tpu.memory_space<hbm>>) dst(%arg7 : memref<125x1x80xi32, #tpu.memory_space<vmem>>)
        tpu.yield
      }) : () -> ()
      "tpu.region"() ({
        %run_scoped3A = tpu.sem_alloc : memref<!tpu.dma_semaphore, #tpu.memory_space<semaphore_mem>>
        %dma_start3A = arith.constant 0 : i32
        %dma_start3A_29 = arith.constant 0 : i32
        %dma_start3A_30 = tpu.memref_slice %arg3[%add3A_23, %dma_start3A, %dma_start3A_29] : memref<40000x1x80xf32, #tpu.memory_space<hbm>> -> memref<125x1x80xf32, #tpu.memory_space<hbm>>
        %dma_start3A_31 = arith.constant 0 : i32
        %dma_start3A_32 = arith.constant 0 : i32
        %dma_start3A_33 = tpu.memref_slice %arg3[%add3A_23, %dma_start3A_31, %dma_start3A_32] : memref<40000x1x80xf32, #tpu.memory_space<hbm>> -> memref<125x1x80xf32, #tpu.memory_space<hbm>>
        tpu.enqueue_dma source(%dma_start3A_33 : memref<125x1x80xf32, #tpu.memory_space<hbm>>) target(%arg8 : memref<125x1x80xf32, #tpu.memory_space<vmem>>) target_semaphore(%run_scoped3A : memref<!tpu.dma_semaphore, #tpu.memory_space<semaphore_mem>>)
        %dma_wait3A = arith.constant 0 : i32
        %dma_wait3A_34 = arith.constant 0 : i32
        %dma_wait3A_35 = tpu.memref_slice %arg3[%add3A_23, %dma_wait3A, %dma_wait3A_34] : memref<40000x1x80xf32, #tpu.memory_space<hbm>> -> memref<125x1x80xf32, #tpu.memory_space<hbm>>
        %dma_wait3A_36 = arith.constant 0 : i32
        %dma_wait3A_37 = arith.constant 0 : i32
        %dma_wait3A_38 = tpu.memref_slice %arg3[%add3A_23, %dma_wait3A_36, %dma_wait3A_37] : memref<40000x1x80xf32, #tpu.memory_space<hbm>> -> memref<125x1x80xf32, #tpu.memory_space<hbm>>
        tpu.wait_dma2 semaphore(%run_scoped3A : memref<!tpu.dma_semaphore, #tpu.memory_space<semaphore_mem>>) src(%dma_wait3A_38 : memref<125x1x80xf32, #tpu.memory_space<hbm>>) dst(%arg8 : memref<125x1x80xf32, #tpu.memory_space<vmem>>)
        tpu.yield
      }) : () -> ()
      %scan3A_24 = arith.constant 0 : i32
      %scan3A_25 = arith.constant 125 : i32
      %scan3A_26 = arith.addi %scan3A_24, %scan3A_25 : i32
      %scan3A_27 = arith.constant 1 : i32
      scf.for %scan3A_29 = %scan3A_24 to %scan3A_26 step %scan3A_27  : i32 {
        %mul3A_30 = arith.constant 1 : i32
        %mul3A_31 = arith.muli %scan3A_29, %mul3A_30 : i32
        %add3A_32 = arith.constant 0 : i32
        %add3A_33 = arith.addi %add3A_32, %mul3A_31 : i32
        %run_scoped3A = arith.constant 0 : i32
        %run_scoped3A_34 = arith.constant 0 : i32
        "tpu.region"() ({
          %run_scoped3A_35 = tpu.sem_alloc : memref<!tpu.dma_semaphore, #tpu.memory_space<semaphore_mem>>
          %dma_start3A = arith.constant 0 : i32
          %dma_start3A_36 = tpu.memref_slice %arg8[%add3A_33, %run_scoped3A, %dma_start3A] : memref<125x1x80xf32, #tpu.memory_space<vmem>> -> memref<1x1x80xf32, #tpu.memory_space<vmem>>
          %dma_start3A_37 = tpu.memref_squeeze %dma_start3A_36 : memref<1x1x80xf32, #tpu.memory_space<vmem>> -> memref<80xf32, #tpu.memory_space<vmem>>
          %dma_start3A_38 = arith.constant 0 : i32
          %dma_start3A_39 = tpu.memref_slice %arg7[%add3A_33, %run_scoped3A_34, %dma_start3A_38] : memref<125x1x80xi32, #tpu.memory_space<vmem>> -> memref<1x1x80xi32, #tpu.memory_space<vmem>>
          %dma_start3A_40 = tpu.memref_squeeze %dma_start3A_39 : memref<1x1x80xi32, #tpu.memory_space<vmem>> -> memref<80xi32, #tpu.memory_space<vmem>>
          %dma_start3A_41 = arith.constant 0 : i32
          %dma_start3A_42 = tpu.memref_slice %arg6[%dma_start3A_41] : memref<102400xf32, #tpu.memory_space<vmem_shared>> -> memref<102400xf32, #tpu.memory_space<vmem_shared>>
          tpu.enqueue_indirect_dma source(%dma_start3A_37 : memref<80xf32, #tpu.memory_space<vmem>>) target(%dma_start3A_42 : memref<102400xf32, #tpu.memory_space<vmem_shared>>) offsets(%dma_start3A_40 : memref<80xi32, #tpu.memory_space<vmem>>) semaphore(%run_scoped3A_35 : memref<!tpu.dma_semaphore, #tpu.memory_space<semaphore_mem>>) {add = true}
          %dma_wait3A = arith.constant 0 : i32
          %dma_wait3A_43 = tpu.memref_slice %arg8[%add3A_33, %run_scoped3A, %dma_wait3A] : memref<125x1x80xf32, #tpu.memory_space<vmem>> -> memref<1x1x80xf32, #tpu.memory_space<vmem>>
          %dma_wait3A_44 = tpu.memref_squeeze %dma_wait3A_43 : memref<1x1x80xf32, #tpu.memory_space<vmem>> -> memref<80xf32, #tpu.memory_space<vmem>>
          %dma_wait3A_45 = arith.constant 0 : i32
          %dma_wait3A_46 = tpu.memref_slice %arg7[%add3A_33, %run_scoped3A_34, %dma_wait3A_45] : memref<125x1x80xi32, #tpu.memory_space<vmem>> -> memref<1x1x80xi32, #tpu.memory_space<vmem>>
          %dma_wait3A_47 = tpu.memref_squeeze %dma_wait3A_46 : memref<1x1x80xi32, #tpu.memory_space<vmem>> -> memref<80xi32, #tpu.memory_space<vmem>>
          %dma_wait3A_48 = arith.constant 0 : i32
          %dma_wait3A_49 = tpu.memref_slice %arg6[%dma_wait3A_48] : memref<102400xf32, #tpu.memory_space<vmem_shared>> -> memref<102400xf32, #tpu.memory_space<vmem_shared>>
          tpu.wait_indirect_dma semaphore(%run_scoped3A_35 : memref<!tpu.dma_semaphore, #tpu.memory_space<semaphore_mem>>) src(%dma_wait3A_44 : memref<80xf32, #tpu.memory_space<vmem>>) dst(%dma_wait3A_49 : memref<102400xf32, #tpu.memory_space<vmem_shared>>)
          tpu.yield
        }) : () -> ()
      }
      %scan3A_28 = arith.constant 125 : i32
    }
    %scan3A_9 = arith.constant 10 : i32
    %barrier3A_10 = arith.constant 0 : index
    tpu.barrier barrier_id(%barrier3A_10)
    %eq3A_11 = arith.constant 0 : i32
    %eq3A_12 = arith.cmpi eq, %arg1, %eq3A_11 : i32
    %convert_element_type3A_13 = arith.extui %eq3A_12 : i1 to i32
    %cond3A_14 = arith.constant 0 : i32
    %cond3A_15 = arith.cmpi ne, %convert_element_type3A_13, %cond3A_14 : i32
    scf.if %cond3A_15 {
      %mul3A_16 = arith.constant 102400 : i32
      %mul3A_17 = arith.muli %arg0, %mul3A_16 : i32
      "tpu.region"() ({
        %run_scoped3A = tpu.sem_alloc : memref<!tpu.dma_semaphore, #tpu.memory_space<semaphore_mem>>
        %dma_start3A = tpu.memref_slice %arg5[%mul3A_17] : memref<204800xf32, #tpu.memory_space<hbm>> -> memref<102400xf32, #tpu.memory_space<hbm>>
        tpu.enqueue_dma source(%arg6 : memref<102400xf32, #tpu.memory_space<vmem_shared>>) target(%dma_start3A : memref<102400xf32, #tpu.memory_space<hbm>>) target_semaphore(%run_scoped3A : memref<!tpu.dma_semaphore, #tpu.memory_space<semaphore_mem>>)
        %dma_wait3A = tpu.memref_slice %arg5[%mul3A_17] : memref<204800xf32, #tpu.memory_space<hbm>> -> memref<102400xf32, #tpu.memory_space<hbm>>
        tpu.wait_dma2 semaphore(%run_scoped3A : memref<!tpu.dma_semaphore, #tpu.memory_space<semaphore_mem>>) src(%arg6 : memref<102400xf32, #tpu.memory_space<vmem_shared>>) dst(%dma_wait3A : memref<102400xf32, #tpu.memory_space<hbm>>)
        tpu.yield
      }) : () -> ()
    } else {
    }
    return
  }
}

module attributes {stable_mosaic.version = 14 : i64} {
  func.func @body(%arg0: i32, %arg1: memref<2000x16xbf16, #tpu.memory_space<vmem>>, %arg2: memref<2000x16xbf16, #tpu.memory_space<vmem>>, %arg3: memref<2000x32xf32, #tpu.memory_space<vmem>>, %arg4: memref<16x256xbf16, #tpu.memory_space<vmem>>, %arg5: memref<16x256xbf16, #tpu.memory_space<vmem>>, %arg6: memref<32x256xf32, #tpu.memory_space<vmem>>, %arg7: memref<1x256xf32, #tpu.memory_space<vmem>>, %arg8: memref<256x256xf32, #tpu.memory_space<vmem>>, %arg9: memref<1x256xf32, #tpu.memory_space<vmem>>, %arg10: memref<256x8xf32, #tpu.memory_space<vmem>>, %arg11: memref<1x8xf32, #tpu.memory_space<vmem>>, %arg12: memref<2000x8xf32, #tpu.memory_space<vmem>>) attributes {dimension_semantics = [#tpu.dimension_semantics<arbitrary>], iteration_bounds = array<i64: 200>, scalar_prefetch = 0 : i64, scratch_operands = 0 : i64, tpu.core_type = #tpu.core_type<tc>, window_params = [{transform_indices = @transform_0, window_bounds = array<i64: 2000, 16>}, {transform_indices = @transform_1, window_bounds = array<i64: 2000, 16>}, {transform_indices = @transform_2, window_bounds = array<i64: 2000, 32>}, {pipeline_mode = #tpu.pipeline_mode<synchronous>, transform_indices = @transform_3, window_bounds = array<i64: 16, 256>}, {pipeline_mode = #tpu.pipeline_mode<synchronous>, transform_indices = @transform_4, window_bounds = array<i64: 16, 256>}, {pipeline_mode = #tpu.pipeline_mode<synchronous>, transform_indices = @transform_5, window_bounds = array<i64: 32, 256>}, {pipeline_mode = #tpu.pipeline_mode<synchronous>, transform_indices = @transform_6, window_bounds = array<i64: 1, 256>}, {pipeline_mode = #tpu.pipeline_mode<synchronous>, transform_indices = @transform_7, window_bounds = array<i64: 256, 256>}, {pipeline_mode = #tpu.pipeline_mode<synchronous>, transform_indices = @transform_8, window_bounds = array<i64: 1, 256>}, {pipeline_mode = #tpu.pipeline_mode<synchronous>, transform_indices = @transform_9, window_bounds = array<i64: 256, 8>}, {pipeline_mode = #tpu.pipeline_mode<synchronous>, transform_indices = @transform_10, window_bounds = array<i64: 1, 8>}, {transform_indices = @transform_11, window_bounds = array<i64: 2000, 8>}]} {
    %get3A = arith.constant 0 : index
    %get3A_0 = arith.constant 0 : index
    %get3A_1 = vector.load %arg3[%get3A, %get3A_0] : memref<2000x32xf32, #tpu.memory_space<vmem>>, vector<2000x32xf32>
    %get3A_2 = arith.constant 0 : index
    %get3A_3 = arith.constant 0 : index
    %get3A_4 = vector.load %arg1[%get3A_2, %get3A_3] : memref<2000x16xbf16, #tpu.memory_space<vmem>>, vector<2000x16xbf16>
    %get3A_5 = arith.constant 0 : index
    %get3A_6 = arith.constant 0 : index
    %get3A_7 = vector.load %arg4[%get3A_5, %get3A_6] : memref<16x256xbf16, #tpu.memory_space<vmem>>, vector<16x256xbf16>
    %dot_general3A = arith.constant dense<0.000000e+00> : vector<2000x256xf32>
    %dot_general3A_8 = tpu.matmul %get3A_4, %get3A_7, %dot_general3A {dimension_numbers = #tpu.dot_dimension_numbers<[1], [0], [0], [1], [0, 0, 1, 1], [], []>, transpose_lhs_hint = false} : vector<2000x16xbf16>, vector<16x256xbf16>, vector<2000x256xf32> -> vector<2000x256xf32>
    %get3A_9 = arith.constant 0 : index
    %get3A_10 = arith.constant 0 : index
    %get3A_11 = vector.load %arg2[%get3A_9, %get3A_10] : memref<2000x16xbf16, #tpu.memory_space<vmem>>, vector<2000x16xbf16>
    %get3A_12 = arith.constant 0 : index
    %get3A_13 = arith.constant 0 : index
    %get3A_14 = vector.load %arg5[%get3A_12, %get3A_13] : memref<16x256xbf16, #tpu.memory_space<vmem>>, vector<16x256xbf16>
    %dot_general3A_15 = arith.constant dense<0.000000e+00> : vector<2000x256xf32>
    %dot_general3A_16 = tpu.matmul %get3A_11, %get3A_14, %dot_general3A_15 {dimension_numbers = #tpu.dot_dimension_numbers<[1], [0], [0], [1], [0, 0, 1, 1], [], []>, transpose_lhs_hint = false} : vector<2000x16xbf16>, vector<16x256xbf16>, vector<2000x256xf32> -> vector<2000x256xf32>
    %add3A = arith.addf %dot_general3A_8, %dot_general3A_16 : vector<2000x256xf32>
    %get3A_17 = arith.constant 0 : index
    %get3A_18 = arith.constant 0 : index
    %get3A_19 = vector.load %arg6[%get3A_17, %get3A_18] : memref<32x256xf32, #tpu.memory_space<vmem>>, vector<32x256xf32>
    %dot_general3A_20 = arith.constant dense<0.000000e+00> : vector<2000x256xf32>
    %dot_general3A_21 = tpu.matmul %get3A_1, %get3A_19, %dot_general3A_20 {dimension_numbers = #tpu.dot_dimension_numbers<[1], [0], [0], [1], [0, 0, 1, 1], [], []>, transpose_lhs_hint = false} : vector<2000x32xf32>, vector<32x256xf32>, vector<2000x256xf32> -> vector<2000x256xf32>
    %add3A_22 = arith.addf %add3A, %dot_general3A_21 : vector<2000x256xf32>
    %get3A_23 = arith.constant 0 : index
    %get3A_24 = arith.constant 0 : index
    %get3A_25 = vector.load %arg7[%get3A_23, %get3A_24] : memref<1x256xf32, #tpu.memory_space<vmem>>, vector<1x256xf32>
    %add3A_26 = vector.broadcast %get3A_25 : vector<1x256xf32> to vector<2000x256xf32>
    %add3A_27 = arith.addf %add3A_22, %add3A_26 : vector<2000x256xf32>
    %max3A = arith.constant 0.000000e+00 : f32
    %max3A_28 = vector.broadcast %max3A : f32 to vector<2000x256xf32>
    %max3A_29 = arith.maximumf %add3A_27, %max3A_28 : vector<2000x256xf32>
    %get3A_30 = arith.constant 0 : index
    %get3A_31 = arith.constant 0 : index
    %get3A_32 = vector.load %arg8[%get3A_30, %get3A_31] : memref<256x256xf32, #tpu.memory_space<vmem>>, vector<256x256xf32>
    %dot_general3A_33 = arith.constant dense<0.000000e+00> : vector<2000x256xf32>
    %dot_general3A_34 = tpu.matmul %max3A_29, %get3A_32, %dot_general3A_33 {dimension_numbers = #tpu.dot_dimension_numbers<[1], [0], [0], [1], [0, 0, 1, 1], [], []>, transpose_lhs_hint = false} : vector<2000x256xf32>, vector<256x256xf32>, vector<2000x256xf32> -> vector<2000x256xf32>
    %get3A_35 = arith.constant 0 : index
    %get3A_36 = arith.constant 0 : index
    %get3A_37 = vector.load %arg9[%get3A_35, %get3A_36] : memref<1x256xf32, #tpu.memory_space<vmem>>, vector<1x256xf32>
    %add3A_38 = vector.broadcast %get3A_37 : vector<1x256xf32> to vector<2000x256xf32>
    %add3A_39 = arith.addf %dot_general3A_34, %add3A_38 : vector<2000x256xf32>
    %max3A_40 = arith.constant 0.000000e+00 : f32
    %max3A_41 = vector.broadcast %max3A_40 : f32 to vector<2000x256xf32>
    %max3A_42 = arith.maximumf %add3A_39, %max3A_41 : vector<2000x256xf32>
    %get3A_43 = arith.constant 0 : index
    %get3A_44 = arith.constant 0 : index
    %get3A_45 = vector.load %arg10[%get3A_43, %get3A_44] : memref<256x8xf32, #tpu.memory_space<vmem>>, vector<256x8xf32>
    %dot_general3A_46 = arith.constant dense<0.000000e+00> : vector<2000x8xf32>
    %dot_general3A_47 = tpu.matmul %max3A_42, %get3A_45, %dot_general3A_46 {dimension_numbers = #tpu.dot_dimension_numbers<[1], [0], [0], [1], [0, 0, 1, 1], [], []>, transpose_lhs_hint = false} : vector<2000x256xf32>, vector<256x8xf32>, vector<2000x8xf32> -> vector<2000x8xf32>
    %get3A_48 = arith.constant 0 : index
    %get3A_49 = arith.constant 0 : index
    %get3A_50 = vector.load %arg11[%get3A_48, %get3A_49] : memref<1x8xf32, #tpu.memory_space<vmem>>, vector<1x8xf32>
    %add3A_51 = vector.broadcast %get3A_50 : vector<1x8xf32> to vector<2000x8xf32>
    %add3A_52 = arith.addf %dot_general3A_47, %add3A_51 : vector<2000x8xf32>
    %swap3A = arith.constant 0 : index
    %swap3A_53 = arith.constant 0 : index
    %swap3A_54 = vector.load %arg12[%swap3A, %swap3A_53] : memref<2000x8xf32, #tpu.memory_space<vmem>>, vector<2000x8xf32>
    tpu.vector_store %arg12[%swap3A, %swap3A_53], %add3A_52 {strides = array<i32>} : memref<2000x8xf32, #tpu.memory_space<vmem>>, vector<2000x8xf32>,
    return
  }
  func.func @transform_0(%arg0: i32) -> (i32, i32) {
    %c0_i32 = arith.constant 0 : i32
    %c0_i32_0 = arith.constant 0 : i32
    return %arg0, %c0_i32 : i32, i32
  }
  func.func @transform_1(%arg0: i32) -> (i32, i32) {
    %c0_i32 = arith.constant 0 : i32
    %c0_i32_0 = arith.constant 0 : i32
    return %arg0, %c0_i32 : i32, i32
  }
  func.func @transform_2(%arg0: i32) -> (i32, i32) {
    %c0_i32 = arith.constant 0 : i32
    %c0_i32_0 = arith.constant 0 : i32
    return %arg0, %c0_i32 : i32, i32
  }
  func.func @transform_3(%arg0: i32) -> (i32, i32) {
    %c0_i32 = arith.constant 0 : i32
    %c0_i32_0 = arith.constant 0 : i32
    %c0_i32_1 = arith.constant 0 : i32
    return %c0_i32, %c0_i32_0 : i32, i32
  }
  func.func @transform_4(%arg0: i32) -> (i32, i32) {
    %c0_i32 = arith.constant 0 : i32
    %c0_i32_0 = arith.constant 0 : i32
    %c0_i32_1 = arith.constant 0 : i32
    return %c0_i32, %c0_i32_0 : i32, i32
  }
  func.func @transform_5(%arg0: i32) -> (i32, i32) {
    %c0_i32 = arith.constant 0 : i32
    %c0_i32_0 = arith.constant 0 : i32
    %c0_i32_1 = arith.constant 0 : i32
    return %c0_i32, %c0_i32_0 : i32, i32
  }
  func.func @transform_6(%arg0: i32) -> (i32, i32) {
    %c0_i32 = arith.constant 0 : i32
    %c0_i32_0 = arith.constant 0 : i32
    %c0_i32_1 = arith.constant 0 : i32
    return %c0_i32, %c0_i32_0 : i32, i32
  }
  func.func @transform_7(%arg0: i32) -> (i32, i32) {
    %c0_i32 = arith.constant 0 : i32
    %c0_i32_0 = arith.constant 0 : i32
    %c0_i32_1 = arith.constant 0 : i32
    return %c0_i32, %c0_i32_0 : i32, i32
  }
  func.func @transform_8(%arg0: i32) -> (i32, i32) {
    %c0_i32 = arith.constant 0 : i32
    %c0_i32_0 = arith.constant 0 : i32
    %c0_i32_1 = arith.constant 0 : i32
    return %c0_i32, %c0_i32_0 : i32, i32
  }
  func.func @transform_9(%arg0: i32) -> (i32, i32) {
    %c0_i32 = arith.constant 0 : i32
    %c0_i32_0 = arith.constant 0 : i32
    %c0_i32_1 = arith.constant 0 : i32
    return %c0_i32, %c0_i32_0 : i32, i32
  }
  func.func @transform_10(%arg0: i32) -> (i32, i32) {
    %c0_i32 = arith.constant 0 : i32
    %c0_i32_0 = arith.constant 0 : i32
    %c0_i32_1 = arith.constant 0 : i32
    return %c0_i32, %c0_i32_0 : i32, i32
  }
  func.func @transform_11(%arg0: i32) -> (i32, i32) {
    %c0_i32 = arith.constant 0 : i32
    %c0_i32_0 = arith.constant 0 : i32
    return %arg0, %c0_i32 : i32, i32
  }
}

module attributes {stable_mosaic.version = 14 : i64} {
  func.func @body(%arg0: i32, %arg1: memref<2x8192xf32, #tpu.memory_space<vmem>>, %arg2: memref<2x8192xf32, #tpu.memory_space<vmem>>, %arg3: memref<32x3xf32, #tpu.memory_space<vmem>>, %arg4: memref<32x1xf32, #tpu.memory_space<vmem>>, %arg5: memref<32x1xf32, #tpu.memory_space<vmem>>, %arg6: memref<1x1xf32, #tpu.memory_space<vmem>>, %arg7: memref<1x8192xf32, #tpu.memory_space<vmem>>) attributes {dimension_semantics = [#tpu.dimension_semantics<arbitrary>], iteration_bounds = array<i64: 13>, scalar_prefetch = 0 : i64, scratch_operands = 0 : i64, tpu.core_type = #tpu.core_type<tc>, window_params = [{transform_indices = @transform_0, window_bounds = array<i64: 2, 8192>}, {transform_indices = @transform_1, window_bounds = array<i64: 2, 8192>}, {pipeline_mode = #tpu.pipeline_mode<synchronous>, transform_indices = @transform_2, window_bounds = array<i64: 32, 3>}, {pipeline_mode = #tpu.pipeline_mode<synchronous>, transform_indices = @transform_3, window_bounds = array<i64: 32, 1>}, {pipeline_mode = #tpu.pipeline_mode<synchronous>, transform_indices = @transform_4, window_bounds = array<i64: 32, 1>}, {pipeline_mode = #tpu.pipeline_mode<synchronous>, transform_indices = @transform_5, window_bounds = array<i64: 1, 1>}, {transform_indices = @transform_6, window_bounds = array<i64: 1, 8192>}]} {
    %get3A = arith.constant 0 : index
    %get3A_0 = arith.constant 0 : index
    %get3A_1 = vector.load %arg1[%get3A, %get3A_0] : memref<2x8192xf32, #tpu.memory_space<vmem>>, vector<1x8192xf32>
    %get3A_2 = arith.constant 1 : index
    %get3A_3 = arith.constant 0 : index
    %get3A_4 = vector.load %arg1[%get3A_2, %get3A_3] : memref<2x8192xf32, #tpu.memory_space<vmem>>, vector<1x8192xf32>
    %get3A_5 = arith.constant 0 : index
    %get3A_6 = arith.constant 0 : index
    %get3A_7 = vector.load %arg2[%get3A_5, %get3A_6] : memref<2x8192xf32, #tpu.memory_space<vmem>>, vector<1x8192xf32>
    %get3A_8 = arith.constant 1 : index
    %get3A_9 = arith.constant 0 : index
    %get3A_10 = vector.load %arg2[%get3A_8, %get3A_9] : memref<2x8192xf32, #tpu.memory_space<vmem>>, vector<1x8192xf32>
    %add3A = arith.addf %get3A_7, %get3A_10 : vector<1x8192xf32>
    %get3A_11 = arith.constant 0 : index
    %get3A_12 = arith.constant 0 : index
    %get3A_13 = vector.load %arg3[%get3A_11, %get3A_12] : memref<32x3xf32, #tpu.memory_space<vmem>>, vector<32x1xf32>
    %get3A_14 = arith.constant 0 : index
    %get3A_15 = arith.constant 1 : index
    %get3A_16 = vector.load %arg3[%get3A_14, %get3A_15] : memref<32x3xf32, #tpu.memory_space<vmem>>, vector<32x1xf32>
    %get3A_17 = arith.constant 0 : index
    %get3A_18 = arith.constant 2 : index
    %get3A_19 = vector.load %arg3[%get3A_17, %get3A_18] : memref<32x3xf32, #tpu.memory_space<vmem>>, vector<32x1xf32>
    %mul3A = vector.broadcast %get3A_13 : vector<32x1xf32> to vector<32x8192xf32>
    %mul3A_20 = vector.broadcast %get3A_1 : vector<1x8192xf32> to vector<32x8192xf32>
    %mul3A_21 = arith.mulf %mul3A, %mul3A_20 : vector<32x8192xf32>
    %mul3A_22 = vector.broadcast %get3A_16 : vector<32x1xf32> to vector<32x8192xf32>
    %mul3A_23 = vector.broadcast %get3A_4 : vector<1x8192xf32> to vector<32x8192xf32>
    %mul3A_24 = arith.mulf %mul3A_22, %mul3A_23 : vector<32x8192xf32>
    %add3A_25 = arith.addf %mul3A_21, %mul3A_24 : vector<32x8192xf32>
    %mul3A_26 = vector.broadcast %get3A_19 : vector<32x1xf32> to vector<32x8192xf32>
    %mul3A_27 = vector.broadcast %add3A : vector<1x8192xf32> to vector<32x8192xf32>
    %mul3A_28 = arith.mulf %mul3A_26, %mul3A_27 : vector<32x8192xf32>
    %add3A_29 = arith.addf %add3A_25, %mul3A_28 : vector<32x8192xf32>
    %get3A_30 = arith.constant 0 : index
    %get3A_31 = arith.constant 0 : index
    %get3A_32 = vector.load %arg4[%get3A_30, %get3A_31] : memref<32x1xf32, #tpu.memory_space<vmem>>, vector<32x1xf32>
    %add3A_33 = vector.broadcast %get3A_32 : vector<32x1xf32> to vector<32x8192xf32>
    %add3A_34 = arith.addf %add3A_29, %add3A_33 : vector<32x8192xf32>
    %max3A = arith.constant 0.000000e+00 : f32
    %max3A_35 = vector.broadcast %max3A : f32 to vector<32x8192xf32>
    %max3A_36 = arith.maximumf %add3A_34, %max3A_35 : vector<32x8192xf32>
    %get3A_37 = arith.constant 0 : index
    %get3A_38 = arith.constant 0 : index
    %get3A_39 = vector.load %arg5[%get3A_37, %get3A_38] : memref<32x1xf32, #tpu.memory_space<vmem>>, vector<32x1xf32>
    %mul3A_40 = vector.broadcast %get3A_39 : vector<32x1xf32> to vector<32x8192xf32>
    %mul3A_41 = arith.mulf %max3A_36, %mul3A_40 : vector<32x8192xf32>
    %reduce_sum3A = arith.constant dense<0.000000e+00> : vector<8192xf32>
    %reduce_sum3A_42 = vector.multi_reduction <add>, %mul3A_41, %reduce_sum3A [0] : vector<32x8192xf32> to vector<8192xf32>
    %broadcast_in_dim3A = vector.shape_cast %reduce_sum3A_42 : vector<8192xf32> to vector<1x8192xf32>
    %get3A_43 = arith.constant 0 : index
    %get3A_44 = arith.constant 0 : index
    %get3A_45 = vector.load %arg6[%get3A_43, %get3A_44] : memref<1x1xf32, #tpu.memory_space<vmem>>, vector<1x1xf32>
    %add3A_46 = vector.broadcast %get3A_45 : vector<1x1xf32> to vector<1x8192xf32>
    %add3A_47 = arith.addf %broadcast_in_dim3A, %add3A_46 : vector<1x8192xf32>
    %add3A_48 = arith.addf %get3A_1, %add3A_47 : vector<1x8192xf32>
    %max3A_49 = arith.constant 0.000000e+00 : f32
    %max3A_50 = vector.broadcast %max3A_49 : f32 to vector<1x8192xf32>
    %max3A_51 = arith.maximumf %add3A_48, %max3A_50 : vector<1x8192xf32>
    %swap3A = arith.constant 0 : index
    %swap3A_52 = arith.constant 0 : index
    %swap3A_53 = vector.load %arg7[%swap3A, %swap3A_52] : memref<1x8192xf32, #tpu.memory_space<vmem>>, vector<1x8192xf32>
    tpu.vector_store %arg7[%swap3A, %swap3A_52], %max3A_51 {strides = array<i32>} : memref<1x8192xf32, #tpu.memory_space<vmem>>, vector<1x8192xf32>,
    return
  }
  func.func @transform_0(%arg0: i32) -> (i32, i32) {
    %c0_i32 = arith.constant 0 : i32
    %c0_i32_0 = arith.constant 0 : i32
    return %c0_i32, %arg0 : i32, i32
  }
  func.func @transform_1(%arg0: i32) -> (i32, i32) {
    %c0_i32 = arith.constant 0 : i32
    %c0_i32_0 = arith.constant 0 : i32
    return %c0_i32, %arg0 : i32, i32
  }
  func.func @transform_2(%arg0: i32) -> (i32, i32) {
    %c0_i32 = arith.constant 0 : i32
    %c0_i32_0 = arith.constant 0 : i32
    %c0_i32_1 = arith.constant 0 : i32
    return %c0_i32, %c0_i32_0 : i32, i32
  }
  func.func @transform_3(%arg0: i32) -> (i32, i32) {
    %c0_i32 = arith.constant 0 : i32
    %c0_i32_0 = arith.constant 0 : i32
    %c0_i32_1 = arith.constant 0 : i32
    return %c0_i32, %c0_i32_0 : i32, i32
  }
  func.func @transform_4(%arg0: i32) -> (i32, i32) {
    %c0_i32 = arith.constant 0 : i32
    %c0_i32_0 = arith.constant 0 : i32
    %c0_i32_1 = arith.constant 0 : i32
    return %c0_i32, %c0_i32_0 : i32, i32
  }
  func.func @transform_5(%arg0: i32) -> (i32, i32) {
    %c0_i32 = arith.constant 0 : i32
    %c0_i32_0 = arith.constant 0 : i32
    %c0_i32_1 = arith.constant 0 : i32
    return %c0_i32, %c0_i32_0 : i32, i32
  }
  func.func @transform_6(%arg0: i32) -> (i32, i32) {
    %c0_i32 = arith.constant 0 : i32
    %c0_i32_0 = arith.constant 0 : i32
    return %c0_i32, %arg0 : i32, i32
  }
}

</mosaic_0001>

<sc_bundles>
// kernel: kernel.6.cloned.1.call-start
scs
__scs_entry_jumppad:
0x0: {  	(pc) =	sbr.rel $0x88, $3  }
0x1: {  	(tag) =	ssettag $0x0;
	lr =	simm.s32 $0x1  }
0x2: {  	[smem:$0x3F94] =	sst lr;
	_ =	strace $0xD0000000  }
0x3: {  	_ = 	snop  }
0x4: {  	_ = 	snop  }
0x5: {  	_ = 	snop  }
0x6: {  	_ = 	snop  }
0x7: {  	_ = 	snop  }
__scs_overlays_trampoline_lowered:
0x8: {  	[smem:$0x3FA3] =	sst s0  }
0x9: {  	[smem:$0x3FA4] =	sst s1  }
0xa: {  	[smem:$0x3FA5] =	sst s2  }
0xb: {  	[smem:$0x3FA6] =	sst s3  }
0xc: {  	[smem:$0x3FA7] =	sst s4  }
0xd: {  	[smem:$0x3FA8] =	sst s5  }
0xe: {  	[smem:$0x3FA9] =	sst s6  }
0xf: {  	[smem:$0x3FAA] =	sst s7  }
0x10: {  	[smem:$0x3FAB] =	sst s8  }
0x11: {  	[smem:$0x3FAC] =	sst s9;
	s0 =	simm.s32 @!p0 $0x0  }
0x12: {  	s1 =	sld [smem:$0x3F92];
	s0 =	simm.s32 @p0 $0x1  }
0x13: {  	[smem:$0x3FAD] =	sst s0;
	s0 =	simm.s32 @!p1 $0x0  }
0x14: {  	s2 =	sld [smem:$0x3F91];
	s0 =	simm.s32 @p1 $0x1  }
0x15: {  	[smem:$0x3FAE] =	sst s0;
	s0 =	simm.s32 @!p2 $0x0  }
0x16: {  	s3 =	sld [smem:$0x3FDB];
	s0 =	simm.s32 @p2 $0x1  }
0x17: {  	s4 =	simm.s32 $0x1BF5;
	[smem:$0x3FB0] =	sst s0  }
0x18: {  	s0 =	sld [smem:$0x3F93];
	_ =	swait.ge [sflag:s4], $0x0  }
0x19: {  	s7 =	sld [smem:$0x3F94]  }
0x1a: {  	s8 =	sadd.s32 $0xFFFFE003, lr  }
0x1b: {  	s9 =	sadd.s32 $0xFFFFFEF7, lr;
	s5 =	simm.s32 $0xFFFFFFFF;
	p2 =	slt.u32 s8, $0xFFFFF086  }
0x1c: {  	p1 =	slt.u32 s9, $0xF7A;
	s5 =	simm.s32 @!p2 $0x0  }
0x1d: {  	s5 =	simm.s32 @p1 $0x1;
	p0 =	seq.s32 s7, s2  }
0x1e: {  	s7 =	smul.u32 @!p0 $0xF7A, s2;
	p2 =	seq.s32 @!p0 s5, $0x0  }
0x1f: {  	s9 =	smul.u32 $0xF7A, s1;
	s8 =	simm.s32 @!p0 $0x1BF5;
	p2 =	por !p2, p0  }
0x20: {  	[sflag:s8] =	ssyncset.s32 @!p0 $0xFFFFF086;
	s6 =	sadd.s32 @!p0 s3, s7;
	s7 =	simm.s32 @!p0 $0x108  }
0x21: {  	s3 =	sadd.s32 s3, s9;
	s6 =	sadd.s32 @!p0 $0x88, s6;
	s7 =	simm.s32 @p2 $0x1082  }
0x22: {  	[simem:s7], [sflag:s8] =	dma.local @!p0 [hbm:s6], $0xF7A  }
0x23: {  	s9 =	sor.u32 $0xD0000000, s2;
	s6 =	simm.s32 $0x108;
	_ =	swait.ge @!p0 [sflag:s8], $0x0  }
0x24: {  	s3 =	sadd.s32 $0x88, s3;
	s6 =	simm.s32 @!p1 $0x1082;
	[sflag:s4] =	ssyncset.s32 $0xFFFFF086  }
0x25: {  	[simem:s6], [sflag:s4] =	dma.local [hbm:s3], $0xF7A  }
0x26: {  	[smem:$0x3F94] =	sst s1;
	(tag) =	ssettag s2;
	_ =	strace s9  }
0x27: {  	s1 =	sld [smem:$0x3FA4]  }
0x28: {  	s2 =	sld [smem:$0x3FA5]  }
0x29: {  	s4 =	sld [smem:$0x3FA7]  }
0x2a: {  	p0 =	seq.s32 s5, $0x0;
	s5 =	sld [smem:$0x3FA8]  }
0x2b: {  	s6 =	sld [smem:$0x3FA9]  }
0x2c: {  	s7 =	sld [smem:$0x3FAA]  }
0x2d: {  	s3 =	simm.s32 $0x108;
	s8 =	sld [smem:$0x3FAB]  }
0x2e: {  	s3 =	simm.s32 @!p0 $0x1082;
	s9 =	sld [smem:$0x3FAC]  }
0x2f: {  	lr =	sadd.s32 s0, s3;
	s0 =	sld [smem:$0x3FA3]  }
0x30: {  	s3 =	sld [smem:$0x3FA6]  }
0x31: {  	[smem:$0x3FAF] =	sst s10  }
0x32: {  	s10 =	sld [smem:$0x3FAD];
	_ =	sdelay $0x3  }
0x33: {  	p0 =	seq.s32 s10, $0x1;
	s10 =	sld [smem:$0x3FAF];
	_ =	sdelay $0x3  }
0x34: {  	[smem:$0x3FAF] =	sst s10  }
0x35: {  	s10 =	sld [smem:$0x3FAE];
	_ =	sdelay $0x3  }
0x36: {  	p1 =	seq.s32 s10, $0x1;
	s10 =	sld [smem:$0x3FAF];
	_ =	sdelay $0x3  }
0x37: {  	[smem:$0x3FAF] =	sst s10  }
0x38: {  	s10 =	sld [smem:$0x3FB0]  }
0x39: {  	_ = 	snop;
	(pc) =	sbr.ind lr, $3  }
0x3a: {  	_ = 	snop  }
0x3b: {  	_ = 	snop  }
0x3c: {  	p2 =	seq.s32 s10, $0x1;
	s10 =	sld [smem:$0x3FAF]  }
0x3d: {  	_ =	shalt  }
0x3e: {  	_ =	shalt  }
0x3f: {  	_ =	shalt  }
0x40: {  	_ =	shalt  }
0x41: {  	_ =	shalt  }
0x42: {  	_ =	shalt  }
0x43: {  	_ =	shalt  }
0x44: {  	_ =	shalt  }
0x45: {  	_ =	shalt  }
0x46: {  	_ =	shalt  }
0x47: {  	_ =	shalt  }
0x48: {  	_ =	shalt  }
0x49: {  	_ =	shalt  }
0x4a: {  	_ =	shalt  }
0x4b: {  	_ =	shalt  }
0x4c: {  	_ =	shalt  }
0x4d: {  	_ =	shalt  }
0x4e: {  	_ =	shalt  }
0x4f: {  	_ =	shalt  }
0x50: {  	_ =	shalt  }
0x51: {  	_ =	shalt  }
0x52: {  	_ =	shalt  }
0x53: {  	_ =	shalt  }
0x54: {  	_ =	shalt  }
0x55: {  	_ =	shalt  }
0x56: {  	_ =	shalt  }
0x57: {  	_ =	shalt  }
0x58: {  	_ =	shalt  }
0x59: {  	_ =	shalt  }
0x5a: {  	_ =	shalt  }
0x5b: {  	_ =	shalt  }
0x5c: {  	_ =	shalt  }
0x5d: {  	_ =	shalt  }
0x5e: {  	_ =	shalt  }
0x5f: {  	_ =	shalt  }
0x60: {  	_ =	shalt  }
0x61: {  	_ =	shalt  }
0x62: {  	_ =	shalt  }
0x63: {  	_ =	shalt  }
0x64: {  	_ =	shalt  }
0x65: {  	_ =	shalt  }
0x66: {  	_ =	shalt  }
0x67: {  	_ =	shalt  }
0x68: {  	_ =	shalt  }
0x69: {  	_ =	shalt  }
0x6a: {  	_ =	shalt  }
0x6b: {  	_ =	shalt  }
0x6c: {  	_ =	shalt  }
0x6d: {  	_ =	shalt  }
0x6e: {  	_ =	shalt  }
0x6f: {  	_ =	shalt  }
0x70: {  	_ =	shalt  }
0x71: {  	_ =	shalt  }
0x72: {  	_ =	shalt  }
0x73: {  	_ =	shalt  }
0x74: {  	_ =	shalt  }
0x75: {  	_ =	shalt  }
0x76: {  	_ =	shalt  }
0x77: {  	_ =	shalt  }
0x78: {  	_ =	shalt  }
0x79: {  	_ =	shalt  }
0x7a: {  	_ =	shalt  }
0x7b: {  	_ =	shalt  }
0x7c: {  	_ =	shalt  }
0x7d: {  	_ =	shalt  }
0x7e: {  	_ =	shalt  }
0x7f: {  	_ =	shalt  }
0x80: {  	_ =	shalt  }
0x81: {  	_ =	shalt  }
0x82: {  	_ =	shalt  }
0x83: {  	_ =	shalt  }
0x84: {  	_ =	shalt  }
0x85: {  	_ =	shalt  }
0x86: {  	_ =	shalt  }
0x87: {  	_ =	shalt  }
.Lfunc_end0:
.L_simem_size_0:
called_computation_lowered:
.L_overlay_start_0:
0x88: {  	s2 =	sld [smem:$0x3FD9]  }
0x89: {  	s3 =	sld [smem:$0x3FFE];
	_ =	sdelay $0x1  }
0x8a: {  	s1 =	srdreg.scid  }
0x8b: {  	s0 =	sand.u32 $0x1, s1  }
0x8c: {  	s16 =	sshll.u32 s0, $0xA;
	s2 =	sadd.s32 s3, s2  }
0x8d: {  	s2 =	sadd.s32 s2, s16  }
0x8e: {  	[smem:$0x3FBB] =	sst s2  }
0x8f: {  	_ = 	snop  }
0x90: {  	(tm) =	ssettm $0x1  }
0x91: {  	s17 =	sld [smem:$0x3FFB];
	_ =	sdelay $0x3  }
0x92: {  	_ =	strace s17  }
0x93: {  	s2 =	sld [smem:$0x3FFC];
	_ =	sdelay $0x3  }
0x94: {  	_ =	strace s2  }
0x95: {  	s2 =	sld [smem:$0x3FFD];
	_ =	sdelay $0x3  }
0x96: {  	_ =	strace s2  }
0x97: {  	_ =	strace $0x8FFFFFFF  }
0x98: {  	s18 =	sld [smem:$0x3FDB];
	_ =	sdelay $0x1  }
0x99: {  	s19 =	simm.s32 $_scs_section_size  }
0x9a: {  	s4 =	simm.s32 $_size__tile_overlayer_lowered;
	s5 =	simm.s32 $_tile_overlayer_lowered  }
0x9b: {  	s22 =	simm.s32 $0x1BFF;
	s21 =	sshll.u32 s5, $0x1;
	s2 =	sadd.s32 s19, s18  }
0x9c: {  	s6 =	simm.s32 $0x0;
	s20 =	sshll.u32 s4, $0x1;
	s4 =	sadd.s32 s21, s2  }
0x9d: {  	[timem:s6], [sflag:s22] =	dma.local [hbm:s4], s20  }
0x9e: {  	_ =	swait.ge [sflag:s22], s20  }
0x9f: {  	s3 =	ssub.s32 $0x0, s20;
	[sflag:s22] =	ssyncset.done $0x0  }
0xa0: {  	[sflag:s22] =	ssyncadd.s32 s3;
	_ =	sdelay $0x1  }
0xa1: {  	s23 =	simm.s32 $0x1B8B  }
0xa2: {  	_ =	swait.ge [sflag:s23], $0x1  }
0xa3: {  	[sflag:s23] =	ssyncset.done $0x0  }
0xa4: {  	s25 =	simm.s32 $0x1B8E;
	s24 =	sld [smem:$0x3FFE];
	[sflag:s23] =	ssyncadd.s32 $0xFFFFFFFF  }
0xa5: {  	s26 =	simm.s32 $execute0_lowered;
	[smem:$0x3FD2] =	sst s25  }
0xa6: {  	s4 =	sshll.u32 s26, $0x1;
	_ =	strace $0x80000046;
	[dreg:$0x1] =	wrdreg $0xFFFFFFFF  }
0xa7: {  	s28 =	simm.s32 $_size_execute0_lowered;
	s2 =	sadd.s32 s2, s4;
	[dreg:$0x0] =	wrdreg $0x0  }
0xa8: {  	s4 =	sshll.u32 s28, $0x1;
	[dreg:$0x2] =	wrdreg s2  }
0xa9: {  	[dreg:$0x3] =	wrdreg s4  }
0xaa: {  	[dreg:$0x4] =	wrdreg $0xC0  }
0xab: {  	_ =	task [dreg:s6], $0x5FFFF  }
0xac: {  	[dreg:$0x1] =	wrdreg $0xFFFFFFFF  }
0xad: {  	[dreg:$0x0] =	wrdreg $0x60  }
0xae: {  	[dreg:$0x2] =	wrdreg s24  }
0xaf: {  	[dreg:$0x3] =	wrdreg $0x0  }
0xb0: {  	[dreg:$0x4] =	wrdreg $0x9  }
0xb1: {  	_ =	task.clear_ibuf [dreg:s6], $0x5FFFF;
	_ =	strace $0x90000046  }
0xb2: {  	s29 =	simm.s32 $0x9;
	_ =	strace $0x80000053  }
0xb3: {  	_ =	swait.ge [sflag:s29], $0x1  }
0xb4: {  	[sflag:s29] =	ssyncadd.s32 $0xFFFFFFFF  }
0xb5: {  	_ =	strace $0x90000053  }
0xb6: {  	_ =	sfence  }
0xb7: {  	s30 =	sld [smem:$0x0];
	_ =	sdelay $0x2  }
0xb8: {  	s31 =	sshll.u32 s1, $0xD;
	s1 =	sshrl.u32 s1, $0x2  }
0xb9: {  	s3 =	sand.u32 $0x4000, s31;
	s1 =	sadd.s32 s1, s30  }
0xba: {  	s0 =	sor.u32 s3, s0;
	s1 =	sshll.u32 s1, $0x11  }
0xbb: {  	s0 =	sor.u32 s1, s0  }
0xbc: {  	s0 =	sadd.s32 $0x8F2B, s0  }
0xbd: {  	[sflag:s0] =	ssyncadd.remote.s32 $0x1  }
0xbe: {  	_ =	sfence.sel $0xFFFF  }
0xbf: {  	[dreg:$0x0] =	wrdreg $0xFFFFFFFF;
	(pc) =	sbr.abs _section_cstart, $3  }
0xc0: {  	[dreg:$0x1] =	wrdreg $0xFFFFFFFF  }
0xc1: {  	_ =	task.clear_ibuf [dreg:s6], $0x2FFFF;
	_ =	strace $0x9FFFFFFF  }
0xc2: {  	(tm) =	ssettm $0x7FFFFFFF  }
0xc3: {  	_ =	shalt  }
tec
execute0_lowered:
.L_overlay_start_1:
0x0: {  	(tag) =	ssettag $0x1  }
0x1: {  	s0 =	rddreg [dreg:$0x0]  }
0x2: {  	s1 =	rddreg [dreg:$0x1];
	s2 =	simm.s32 $0x0;
	s3 =	srdreg.scid  }
0x3: {  	s9 =	stileid.u32;
	s15 =	simm.s32 $0x50;
	s16 =	simm.s32 $0x9  }
0x4: {  	s17 =	simm.s32 $0x0;
	[smem:$0x7FF] =	sst s2;
	s4 =	sand.u32 $0x1, s3  }
0x5: {  	s3 =	sadd.s32 $0xC6C00, s0;
	s6 =	sadd.s32 $0x6800, s0;
	p0 =	sne.s32 s9, $0x0  }
0x6: {  	_ =	strace $0x80000047;
	s5 =	sshll.u32 s4, $0x4;
	s7 =	ssub.s32 $0x2, s4  }
0x7: {  	s4 =	sadd.s32 $0x3600, s0;
	s11 =	sshrl.u32 @!p0 s1, $0x3;
	s8 =	sor.u32 s9, s5  }
0x8: {  	s10 =	sshrl.u32 s7, $0x1;
	s5 =	sadd.s32 $0x1FF400, s0;
	s12 =	smul.u32 $0x4E20, s8  }
0x9: {  	s9 =	sadd.s32 $0x163000, s0;
	s10 =	ssub.s32 s7, s10;
	s7 =	smul.u32 $0x4E2, s8  }
0xa: {  	s10 =	smax.u32 s10, $0x1;
	s8 =	sadd.s32 s3, s12;
	s13 =	sadd.s32 s12, s9  }
.LBB2_1:
0xb: {  	s0 =	simm.s32 @!p0 $0x1C01  }
0xc: {  	[spmem:s11], [sflag:s0] =	dma.local @!p0 [hbm:s4], $0x3200  }
0xd: {  	s0 =	simm.s32 @!p0 $0x1  }
0xe: {  	_ =	swait.ge @!p0 [sflag:s0], $0x3200  }
0xf: {  	s30 =	simm.s32 $0x1900;
	[sflag:s0] =	ssyncset.done @!p0 $0x0  }
0x10: {  	s31 =	simm.s32 $0x1A00;
	s28 =	simm.s32 $0x1;
	[sflag:s0] =	ssyncadd.s32 @!p0 $0xFFFFCE00  }
0x11: {  	s19 =	simm.s32 $0x4E2;
	s29 =	simm.s32 $0x0;
	[bflag:$0x0] =	sbarrier.arrive $0xFFFF  }
0x12: {  	s18 =	simm.s32 $0x0;
	s20 =	simm.s32 $0x0;
	_ =	strace $0x80000048  }
0x13: {  	[tilespmem:s30], [sflag:$0x1] =	stream.linear.gather [hbm4b:s8+s2], $0x80, $0x200038;
	[tilespmem:$0x1D00] =	vst v63  }
0x14: {  	s25 =	simm.s32 $0x0;
	s21 =	simm.s32 $0x0;
	s22 =	simm.s32 $0x0  }
0x15: {  	[tilespmem:s31], [sflag:$0x3] =	stream.linear.gather [hbm4b:s13+s2], $0x80, $0x200038;
	[tilespmem:$0x1D00] =	vst v63  }
0x16: {  	s23 =	simm.s32 $0x1;
	s24 =	simm.s32 $0x0;
	_ =	strace $0x90000048  }
.LBB2_2:
0x17: {  	s26 =	sadd.s32 $0x1, s29  }
0x18: {  	p1 =	seq.s32 s26, $0x4E2  }
0x19: {  	s26 =	simm.s32 @p1 $0x0;
	p1 =	seq.s32 s19, $0x1  }
0x1a: {  	p2 =	seq.s32 @!p1 s29, s26  }
0x1b: {  	p3 =	por p2, p1  }
0x1c: {  	s0 =	sadd.s32 @!p3 s7, s26  }
0x1d: {  	s12 =	sand.u32 @!p3 $0x1, s28;
	_ =	strace @!p3 $0x80000049;
	s0 =	sshll.u32 @!p3 s0, $0x4  }
0x1e: {  	s31 =	simm.s32 @!p3 $0x0;
	s14 =	sshll.u32 @!p3 s12, $0x7;
	s0 =	sand.u32 @!p3 $0x1FFFFFF0, s0  }
0x1f: {  	s12 =	sadd.s32 @!p3 $0x1, s12;
	s14 =	sor.u32 @!p3 $0x1900, s14;
	s30 =	sadd.s32 @!p3 s3, s0  }
0x20: {  	[tilespmem:s14], [sflag:s12] =	stream.linear.gather @!p3 [hbm4b:s30+s31], $0x80, $0x200038;
	[tilespmem:$0x1D00] =	vst v63  }
0x21: {  	s12 =	sand.u32 @!p3 $0x1, s23  }
0x22: {  	s0 =	sadd.s32 @!p3 s9, s0;
	_ =	strace @!p3 $0x90000049;
	s14 =	sshll.u32 @!p3 s12, $0x7  }
0x23: {  	s12 =	sadd.s32 @!p3 $0x3, s12;
	_ =	strace @!p3 $0x8000004A;
	s14 =	sor.u32 @!p3 $0x1A00, s14  }
0x24: {  	[tilespmem:s14], [sflag:s12] =	stream.linear.gather @!p3 [hbm4b:s0+s31], $0x80, $0x200038;
	[tilespmem:$0x1D00] =	vst v63  }
0x25: {  	s31 =	sand.u32 $0x1, s24;
	_ =	strace @!p3 $0x9000004A  }
0x26: {  	s0 =	sadd.s32 $0x1, s31;
	_ =	strace $0x8000004B  }
0x27: {  	_ =	swait.ge [sflag:s0], $0x80  }
0x28: {  	[sflag:s0] =	ssyncset.done $0x0  }
0x29: {  	[sflag:s0] =	ssyncadd.s32 $0xFFFFFF80  }
0x2a: {  	s12 =	sand.u32 $0x1, s22;
	_ =	strace $0x9000004B  }
0x2b: {  	s31 =	sand.u32 $0x1, s21;
	s0 =	sadd.s32 $0x3, s12;
	_ =	strace $0x8000004C  }
0x2c: {  	s14 =	smul.u32 $0x140, s31;
	_ =	swait.ge [sflag:s0], $0x80  }
0x2d: {  	[sflag:s0] =	ssyncset.done $0x0  }
0x2e: {  	s30 =	sshll.u32 s24, $0x7;
	s12 =	sshrl.u32 s14, $0x2;
	[sflag:s0] =	ssyncadd.s32 $0xFFFFFF80  }
0x2f: {  	s14 =	sand.u32 $0x80, s30;
	s12 =	sor.u32 $0x1B00, s12;
	_ =	strace $0x9000004C  }
0x30: {  	s14 =	sor.u32 $0x1900, s14;
	s0 =	sand.u32 $0x1, s20;
	_ =	strace $0x8000004D  }
0x31: {  	[tilespmem:s12], [sflag:$0x9] =	stream.indirect.gather [spmem:s1], $0x1, s14, s15, $0x2000b8;
	[tilespmem:$0x1D00] =	vst v63  }
0x32: {  	s14 =	smul.u32 $0x140, s0  }
0x33: {  	p4 =	por p1, !p2;
	s30 =	sshll.u32 s22, $0x7;
	_ =	swait.ge [sflag:s16], $0x50  }
0x34: {  	s30 =	sand.u32 $0x80, s30;
	[sflag:s16] =	ssyncset.done $0x0;
	s14 =	sshrl.u32 s14, $0x2  }
0x35: {  	s30 =	sor.u32 $0x1A00, s30;
	[sflag:s16] =	ssyncadd.s32 $0xFFFFFFB0;
	s14 =	sor.u32 $0x1C00, s14  }
0x36: {  	[tilespmem:s14], [sflag:$0x9] =	stream.indirect.gather [spmem:s1], $0x1, s30, s15, $0x2000b8;
	[tilespmem:$0x1D00] =	vst v63  }
0x37: {  	s29 =	sadd.s32 @p4 s7, s29;
	_ =	swait.ge [sflag:s16], $0x50  }
0x38: {  	s29 =	smul.u32 @p4 $0x50, s29;
	[sflag:s16] =	ssyncset.done $0x0  }
0x39: {  	[sflag:s16] =	ssyncadd.s32 $0xFFFFFFB0  }
0x3a: {  	s29 =	sshrl.u32 @p4 s29, $0x3;
	s30 =	simm.s32 $0x0;
	_ =	strace $0x9000004D  }
0x3b: {  	s30 =	sadd.s32 @p4 $0x5, s31;
	s31 =	sadd.s32 @p4 s5, s29;
	_ =	strace @p4 $0x8000004E  }
0x3c: {  	[hbm4b:s31+s2] =	stream.linear.scatter @p4 [tilespmem:s12], [sflag:s30], $0x50, $0x200038;
	[tilespmem:$0x1D00] =	vst v63  }
0x3d: {  	p2 =	por !p2, p1;
	s21 =	sadd.s32 @p4 $0x1, s21;
	_ =	strace @p4 $0x9000004E  }
0x3e: {  	s0 =	sadd.s32 @p4 $0x7, s0;
	s12 =	sadd.s32 @p4 s6, s29;
	_ =	strace @p4 $0x8000004F  }
0x3f: {  	[hbm4b:s12+s2] =	stream.linear.scatter @p4 [tilespmem:s14], [sflag:s0], $0x50, $0x200038;
	[tilespmem:$0x1D00] =	vst v63  }
0x40: {  	s30 =	simm.s32 @p4 $0x1;
	_ =	strace @p4 $0x9000004F;
	p4 =	seq.s32 s19, $0x4E2  }
0x41: {  	s31 =	smov.u32 s28;
	s29 =	smov.u32 s26;
	s0 =	sand.u32 @!p4 $0x1, s25  }
0x42: {  	s20 =	sadd.s32 s20, s30;
	_ =	strace @!p4 $0x80000050;
	s0 =	sadd.s32 @!p4 $0x5, s0  }
0x43: {  	s24 =	sadd.s32 s24, s30;
	s12 =	sadd.s32 @!p3 $0x1, s28;
	_ =	swait.ge @!p4 [sflag:s0], $0x50  }
0x44: {  	s31 =	smov.u32 @p2 s12;
	s19 =	sadd.s32 $0xFFFFFFFF, s19;
	[sflag:s0] =	ssyncset.done @!p4 $0x0  }
0x45: {  	s14 =	sand.u32 @!p4 $0x1, s18;
	[sflag:s0] =	ssyncadd.s32 @!p4 $0xFFFFFFB0;
	s0 =	simm.s32 $0x0  }
0x46: {  	s31 =	smov.u32 @p1 s28;
	s12 =	simm.s32 @!p4 $0x1;
	s0 =	simm.s32 @p2 $0x1  }
0x47: {  	_ =	strace @!p4 $0x90000050;
	s0 =	simm.s32 @p1 $0x0;
	p1 =	sne.s32 s19, $0x0  }
.Ltmp0:
0x48: {  	s14 =	sadd.s32 @!p4 $0x7, s14;
	_ =	strace @!p4 $0x80000051;
	(pc) =	sbr.rel @p1 .LBB2_2-.Ltmp0, $4  }
0x49: {  	s22 =	sadd.s32 s22, s30;
	s12 =	simm.s32 @p4 $0x0;
	_ =	swait.ge @!p4 [sflag:s14], $0x50  }
0x4a: {  	s23 =	sadd.s32 s23, s0;
	s0 =	sadd.s32 @!p4 $0x1, s25;
	[sflag:s14] =	ssyncset.done @!p4 $0x0  }
0x4b: {  	s28 =	smov.u32 s31;
	s0 =	smov.u32 @p4 s25;
	[sflag:s14] =	ssyncadd.s32 @!p4 $0xFFFFFFB0  }
0x4c: {  	s18 =	sadd.s32 s18, s12;
	s25 =	smov.u32 s0;
	_ =	strace @!p4 $0x90000051  }
0x4d: {  	s0 =	sand.u32 $0x1, s0  }
0x4e: {  	_ =	strace $0x80000052;
	s0 =	sadd.s32 $0x5, s0  }
0x4f: {  	s17 =	sadd.s32 $0x1, s17;
	_ =	swait.ge [sflag:s0], $0x50  }
0x50: {  	s12 =	sand.u32 $0x1, s18;
	p1 =	sne.s32 s17, s10;
	[sflag:s0] =	ssyncset.done $0x0  }
.Ltmp1:
0x51: {  	s31 =	sadd.s32 $0x7, s12;
	[sflag:s0] =	ssyncadd.s32 $0xFFFFFFB0;
	(pc) =	sbr.rel @p1 .LBB2_1-.Ltmp1, $4  }
0x52: {  	_ =	swait.ge [sflag:s31], $0x50  }
0x53: {  	[sflag:s31] =	ssyncset.done $0x0  }
0x54: {  	[sflag:s31] =	ssyncadd.s32 $0xFFFFFFB0  }
0x55: {  	_ =	strace $0x90000052  }
0x56: {  	_ =	sfence.sel $0x180000  }
0x57: {  	[bflag:$0x0] =	sbarrier.arrive $0xFFFF  }
0x58: {  	_ =	strace $0x90000047  }
0x59: {  	[bflag:$0x2] =	sbarrier.arrive $0xFFFF  }
0x5a: {  	s0 =	rddreg [dreg:$0x2]  }
0x5b: {  	s0 =	sadd.s32 @!p0 $0x100000, s0  }
0x5c: {  	[sflag:s0] =	ssyncadd.tile.s32 @!p0 $0x1;
	_ =	shalt  }
.Lfunc_end2:
_tile_overlayer_lowered:
.L_overlay_start_2:
0x5d: {  	(tag) =	ssettag $0x2  }
0x5e: {  	s0 =	rddreg [dreg:$0x0];
	s2 =	stileid.u32  }
0x5f: {  	s1 =	rddreg [dreg:$0x1];
	p0 =	sne.s32 s2, $0x0  }
0x60: {  	s3 =	rddreg [dreg:$0x2];
	[bflag:$0x3] =	sbarrier.arrive $0xFFFF;
	s2 =	simm.s32 @!p0 $0x1C01  }
0x61: {  	[timem:s3], [sflag:s2] =	dma.local @!p0 [hbm:s0], s1  }
0x62: {  	s0 =	simm.s32 @!p0 $0x1  }
0x63: {  	_ =	swait.ge @!p0 [sflag:s0], s1  }
0x64: {  	s1 =	ssub.s32 @!p0 $0x0, s1;
	[sflag:s0] =	ssyncset.done @!p0 $0x0  }
0x65: {  	[sflag:s0] =	ssyncadd.s32 @!p0 s1  }
0x66: {  	[bflag:$0x3] =	sbarrier.arrive $0xFFFF  }
0x67: {  	_ =	shalt  }

// kernel: kernel.9.cloned.1.call-start
scs
__scs_entry_jumppad:
0x0: {  	(pc) =	sbr.rel $0x88, $3  }
0x1: {  	(tag) =	ssettag $0x0;
	lr =	simm.s32 $0x1  }
0x2: {  	[smem:$0x3F94] =	sst lr;
	_ =	strace $0xD0000000  }
0x3: {  	_ = 	snop  }
0x4: {  	_ = 	snop  }
0x5: {  	_ = 	snop  }
0x6: {  	_ = 	snop  }
0x7: {  	_ = 	snop  }
__scs_overlays_trampoline_lowered:
0x8: {  	[smem:$0x3FA3] =	sst s0  }
0x9: {  	[smem:$0x3FA4] =	sst s1  }
0xa: {  	[smem:$0x3FA5] =	sst s2  }
0xb: {  	[smem:$0x3FA6] =	sst s3  }
0xc: {  	[smem:$0x3FA7] =	sst s4  }
0xd: {  	[smem:$0x3FA8] =	sst s5  }
0xe: {  	[smem:$0x3FA9] =	sst s6  }
0xf: {  	[smem:$0x3FAA] =	sst s7  }
0x10: {  	[smem:$0x3FAB] =	sst s8  }
0x11: {  	[smem:$0x3FAC] =	sst s9;
	s0 =	simm.s32 @!p0 $0x0  }
0x12: {  	s1 =	sld [smem:$0x3F92];
	s0 =	simm.s32 @p0 $0x1  }
0x13: {  	[smem:$0x3FAD] =	sst s0;
	s0 =	simm.s32 @!p1 $0x0  }
0x14: {  	s2 =	sld [smem:$0x3F91];
	s0 =	simm.s32 @p1 $0x1  }
0x15: {  	[smem:$0x3FAE] =	sst s0;
	s0 =	simm.s32 @!p2 $0x0  }
0x16: {  	s3 =	sld [smem:$0x3FDB];
	s0 =	simm.s32 @p2 $0x1  }
0x17: {  	s4 =	simm.s32 $0x1BF5;
	[smem:$0x3FB0] =	sst s0  }
0x18: {  	s0 =	sld [smem:$0x3F93];
	_ =	swait.ge [sflag:s4], $0x0  }
0x19: {  	s7 =	sld [smem:$0x3F94]  }
0x1a: {  	s8 =	sadd.s32 $0xFFFFE003, lr  }
0x1b: {  	s9 =	sadd.s32 $0xFFFFFEF7, lr;
	s5 =	simm.s32 $0xFFFFFFFF;
	p2 =	slt.u32 s8, $0xFFFFF086  }
0x1c: {  	p1 =	slt.u32 s9, $0xF7A;
	s5 =	simm.s32 @!p2 $0x0  }
0x1d: {  	s5 =	simm.s32 @p1 $0x1;
	p0 =	seq.s32 s7, s2  }
0x1e: {  	s7 =	smul.u32 @!p0 $0xF7A, s2;
	p2 =	seq.s32 @!p0 s5, $0x0  }
0x1f: {  	s9 =	smul.u32 $0xF7A, s1;
	s8 =	simm.s32 @!p0 $0x1BF5;
	p2 =	por !p2, p0  }
0x20: {  	[sflag:s8] =	ssyncset.s32 @!p0 $0xFFFFF086;
	s6 =	sadd.s32 @!p0 s3, s7;
	s7 =	simm.s32 @!p0 $0x108  }
0x21: {  	s3 =	sadd.s32 s3, s9;
	s6 =	sadd.s32 @!p0 $0x88, s6;
	s7 =	simm.s32 @p2 $0x1082  }
0x22: {  	[simem:s7], [sflag:s8] =	dma.local @!p0 [hbm:s6], $0xF7A  }
0x23: {  	s9 =	sor.u32 $0xD0000000, s2;
	s6 =	simm.s32 $0x108;
	_ =	swait.ge @!p0 [sflag:s8], $0x0  }
0x24: {  	s3 =	sadd.s32 $0x88, s3;
	s6 =	simm.s32 @!p1 $0x1082;
	[sflag:s4] =	ssyncset.s32 $0xFFFFF086  }
0x25: {  	[simem:s6], [sflag:s4] =	dma.local [hbm:s3], $0xF7A  }
0x26: {  	[smem:$0x3F94] =	sst s1;
	(tag) =	ssettag s2;
	_ =	strace s9  }
0x27: {  	s1 =	sld [smem:$0x3FA4]  }
0x28: {  	s2 =	sld [smem:$0x3FA5]  }
0x29: {  	s4 =	sld [smem:$0x3FA7]  }
0x2a: {  	p0 =	seq.s32 s5, $0x0;
	s5 =	sld [smem:$0x3FA8]  }
0x2b: {  	s6 =	sld [smem:$0x3FA9]  }
0x2c: {  	s7 =	sld [smem:$0x3FAA]  }
0x2d: {  	s3 =	simm.s32 $0x108;
	s8 =	sld [smem:$0x3FAB]  }
0x2e: {  	s3 =	simm.s32 @!p0 $0x1082;
	s9 =	sld [smem:$0x3FAC]  }
0x2f: {  	lr =	sadd.s32 s0, s3;
	s0 =	sld [smem:$0x3FA3]  }
0x30: {  	s3 =	sld [smem:$0x3FA6]  }
0x31: {  	[smem:$0x3FAF] =	sst s10  }
0x32: {  	s10 =	sld [smem:$0x3FAD];
	_ =	sdelay $0x3  }
0x33: {  	p0 =	seq.s32 s10, $0x1;
	s10 =	sld [smem:$0x3FAF];
	_ =	sdelay $0x3  }
0x34: {  	[smem:$0x3FAF] =	sst s10  }
0x35: {  	s10 =	sld [smem:$0x3FAE];
	_ =	sdelay $0x3  }
0x36: {  	p1 =	seq.s32 s10, $0x1;
	s10 =	sld [smem:$0x3FAF];
	_ =	sdelay $0x3  }
0x37: {  	[smem:$0x3FAF] =	sst s10  }
0x38: {  	s10 =	sld [smem:$0x3FB0]  }
0x39: {  	_ = 	snop;
	(pc) =	sbr.ind lr, $3  }
0x3a: {  	_ = 	snop  }
0x3b: {  	_ = 	snop  }
0x3c: {  	p2 =	seq.s32 s10, $0x1;
	s10 =	sld [smem:$0x3FAF]  }
0x3d: {  	_ =	shalt  }
0x3e: {  	_ =	shalt  }
0x3f: {  	_ =	shalt  }
0x40: {  	_ =	shalt  }
0x41: {  	_ =	shalt  }
0x42: {  	_ =	shalt  }
0x43: {  	_ =	shalt  }
0x44: {  	_ =	shalt  }
0x45: {  	_ =	shalt  }
0x46: {  	_ =	shalt  }
0x47: {  	_ =	shalt  }
0x48: {  	_ =	shalt  }
0x49: {  	_ =	shalt  }
0x4a: {  	_ =	shalt  }
0x4b: {  	_ =	shalt  }
0x4c: {  	_ =	shalt  }
0x4d: {  	_ =	shalt  }
0x4e: {  	_ =	shalt  }
0x4f: {  	_ =	shalt  }
0x50: {  	_ =	shalt  }
0x51: {  	_ =	shalt  }
0x52: {  	_ =	shalt  }
0x53: {  	_ =	shalt  }
0x54: {  	_ =	shalt  }
0x55: {  	_ =	shalt  }
0x56: {  	_ =	shalt  }
0x57: {  	_ =	shalt  }
0x58: {  	_ =	shalt  }
0x59: {  	_ =	shalt  }
0x5a: {  	_ =	shalt  }
0x5b: {  	_ =	shalt  }
0x5c: {  	_ =	shalt  }
0x5d: {  	_ =	shalt  }
0x5e: {  	_ =	shalt  }
0x5f: {  	_ =	shalt  }
0x60: {  	_ =	shalt  }
0x61: {  	_ =	shalt  }
0x62: {  	_ =	shalt  }
0x63: {  	_ =	shalt  }
0x64: {  	_ =	shalt  }
0x65: {  	_ =	shalt  }
0x66: {  	_ =	shalt  }
0x67: {  	_ =	shalt  }
0x68: {  	_ =	shalt  }
0x69: {  	_ =	shalt  }
0x6a: {  	_ =	shalt  }
0x6b: {  	_ =	shalt  }
0x6c: {  	_ =	shalt  }
0x6d: {  	_ =	shalt  }
0x6e: {  	_ =	shalt  }
0x6f: {  	_ =	shalt  }
0x70: {  	_ =	shalt  }
0x71: {  	_ =	shalt  }
0x72: {  	_ =	shalt  }
0x73: {  	_ =	shalt  }
0x74: {  	_ =	shalt  }
0x75: {  	_ =	shalt  }
0x76: {  	_ =	shalt  }
0x77: {  	_ =	shalt  }
0x78: {  	_ =	shalt  }
0x79: {  	_ =	shalt  }
0x7a: {  	_ =	shalt  }
0x7b: {  	_ =	shalt  }
0x7c: {  	_ =	shalt  }
0x7d: {  	_ =	shalt  }
0x7e: {  	_ =	shalt  }
0x7f: {  	_ =	shalt  }
0x80: {  	_ =	shalt  }
0x81: {  	_ =	shalt  }
0x82: {  	_ =	shalt  }
0x83: {  	_ =	shalt  }
0x84: {  	_ =	shalt  }
0x85: {  	_ =	shalt  }
0x86: {  	_ =	shalt  }
0x87: {  	_ =	shalt  }
.Lfunc_end0:
.L_simem_size_0:
called_computation.1_lowered:
.L_overlay_start_0:
0x88: {  	s2 =	sld [smem:$0x3FD9]  }
0x89: {  	s3 =	sld [smem:$0x3FFE];
	_ =	sdelay $0x1  }
0x8a: {  	s1 =	srdreg.scid  }
0x8b: {  	s0 =	sand.u32 $0x1, s1  }
0x8c: {  	s16 =	sshll.u32 s0, $0xA;
	s2 =	sadd.s32 s3, s2  }
0x8d: {  	s2 =	sadd.s32 s2, s16  }
0x8e: {  	[smem:$0x3FBB] =	sst s2  }
0x8f: {  	_ = 	snop  }
0x90: {  	(tm) =	ssettm $0x1  }
0x91: {  	s17 =	sld [smem:$0x3FFB];
	_ =	sdelay $0x3  }
0x92: {  	_ =	strace s17  }
0x93: {  	s2 =	sld [smem:$0x3FFC];
	_ =	sdelay $0x3  }
0x94: {  	_ =	strace s2  }
0x95: {  	s2 =	sld [smem:$0x3FFD];
	_ =	sdelay $0x3  }
0x96: {  	_ =	strace s2  }
0x97: {  	_ =	strace $0x8FFFFFFF  }
0x98: {  	s18 =	sld [smem:$0x3FDB];
	_ =	sdelay $0x1  }
0x99: {  	s19 =	simm.s32 $_scs_section_size  }
0x9a: {  	s4 =	simm.s32 $_size__tile_overlayer_lowered;
	s5 =	simm.s32 $_tile_overlayer_lowered  }
0x9b: {  	s22 =	simm.s32 $0x1BFF;
	s21 =	sshll.u32 s5, $0x1;
	s2 =	sadd.s32 s19, s18  }
0x9c: {  	s6 =	simm.s32 $0x0;
	s20 =	sshll.u32 s4, $0x1;
	s4 =	sadd.s32 s21, s2  }
0x9d: {  	[timem:s6], [sflag:s22] =	dma.local [hbm:s4], s20  }
0x9e: {  	_ =	swait.ge [sflag:s22], s20  }
0x9f: {  	s3 =	ssub.s32 $0x0, s20;
	[sflag:s22] =	ssyncset.done $0x0  }
0xa0: {  	[sflag:s22] =	ssyncadd.s32 s3;
	_ =	sdelay $0x1  }
0xa1: {  	s23 =	simm.s32 $0x1B8B  }
0xa2: {  	_ =	swait.ge [sflag:s23], $0x1  }
0xa3: {  	[sflag:s23] =	ssyncset.done $0x0  }
0xa4: {  	s25 =	simm.s32 $0x1B8E;
	s24 =	sld [smem:$0x3FFE];
	[sflag:s23] =	ssyncadd.s32 $0xFFFFFFFF  }
0xa5: {  	s26 =	simm.s32 $execute0_lowered;
	[smem:$0x3FD2] =	sst s25  }
0xa6: {  	s4 =	sshll.u32 s26, $0x1;
	_ =	strace $0x80000054;
	[dreg:$0x1] =	wrdreg $0xFFFFFFFF  }
0xa7: {  	s28 =	simm.s32 $_size_execute0_lowered;
	s2 =	sadd.s32 s2, s4;
	[dreg:$0x0] =	wrdreg $0x0  }
0xa8: {  	s4 =	sshll.u32 s28, $0x1;
	[dreg:$0x2] =	wrdreg s2  }
0xa9: {  	[dreg:$0x3] =	wrdreg s4  }
0xaa: {  	[dreg:$0x4] =	wrdreg $0xC0  }
0xab: {  	_ =	task [dreg:s6], $0x5FFFF  }
0xac: {  	[dreg:$0x1] =	wrdreg $0xFFFFFFFF  }
0xad: {  	[dreg:$0x0] =	wrdreg $0x60  }
0xae: {  	[dreg:$0x2] =	wrdreg s24  }
0xaf: {  	[dreg:$0x3] =	wrdreg $0x0  }
0xb0: {  	[dreg:$0x4] =	wrdreg $0x9  }
0xb1: {  	_ =	task.clear_ibuf [dreg:s6], $0x5FFFF;
	_ =	strace $0x90000054  }
0xb2: {  	s29 =	simm.s32 $0x9;
	_ =	strace $0x80000056  }
0xb3: {  	_ =	swait.ge [sflag:s29], $0x1  }
0xb4: {  	[sflag:s29] =	ssyncadd.s32 $0xFFFFFFFF  }
0xb5: {  	_ =	strace $0x90000056  }
0xb6: {  	_ =	sfence  }
0xb7: {  	s30 =	sld [smem:$0x0];
	_ =	sdelay $0x2  }
0xb8: {  	s31 =	sshll.u32 s1, $0xD;
	s1 =	sshrl.u32 s1, $0x2  }
0xb9: {  	s3 =	sand.u32 $0x4000, s31;
	s1 =	sadd.s32 s1, s30  }
0xba: {  	s0 =	sor.u32 s3, s0;
	s1 =	sshll.u32 s1, $0x11  }
0xbb: {  	s0 =	sor.u32 s1, s0  }
0xbc: {  	s0 =	sadd.s32 $0x8F2B, s0  }
0xbd: {  	[sflag:s0] =	ssyncadd.remote.s32 $0x1  }
0xbe: {  	_ =	sfence.sel $0xFFFF  }
0xbf: {  	[dreg:$0x0] =	wrdreg $0xFFFFFFFF;
	(pc) =	sbr.abs _section_cstart, $3  }
0xc0: {  	[dreg:$0x1] =	wrdreg $0xFFFFFFFF  }
0xc1: {  	_ =	task.clear_ibuf [dreg:s6], $0x2FFFF;
	_ =	strace $0x9FFFFFFF  }
0xc2: {  	(tm) =	ssettm $0x7FFFFFFF  }
0xc3: {  	_ =	shalt  }
tec
execute0_lowered:
.L_overlay_start_1:
0x0: {  	(tag) =	ssettag $0x1  }
0x1: {  	s6 =	rddreg [dreg:$0x0]  }
0x2: {  	s1 =	rddreg [dreg:$0x1]  }
0x3: {  	s0 =	rddreg [dreg:$0x2];
	s2 =	simm.s32 $0x0  }
0x4: {  	s3 =	srdreg.scid;
	s8 =	stileid.u32;
	s12 =	simm.s32 $0x5780  }
0x5: {  	s13 =	simm.s32 $0x50;
	[smem:$0x7FF] =	sst s2;
	s4 =	sand.u32 $0x1, s3  }
0x6: {  	s3 =	sadd.s32 $0x3600, s6;
	p0 =	sne.s32 s8, $0x0;
	_ =	strace $0x80000055  }
0x7: {  	s5 =	smul.u32 $0x3200, s4;
	s7 =	ssub.s32 $0x2, s4;
	s9 =	sshll.u32 s4, $0x4  }
0x8: {  	s4 =	sadd.s32 $0x9FA00, s6;
	s10 =	sshrl.u32 s7, $0x1;
	s9 =	sor.u32 s8, s9  }
0x9: {  	s11 =	sadd.s32 s5, s6;
	s10 =	ssub.s32 s7, s10;
	s5 =	smul.u32 $0x4E2, s9  }
0xa: {  	s6 =	sadd.s32 $0x163000, s6;
	s9 =	sshrl.u32 @!p0 s1, $0x3;
	s7 =	sadd.s32 $0xA2C00, s11  }
0xb: {  	s8 =	smax.u32 s10, $0x1;
	s10 =	simm.s32 $0x1900;
	s11 =	simm.s32 $0x1  }
.LBB2_1:
0xc: {  	s14 =	simm.s32 @!p0 $0x1C01  }
0xd: {  	[spmem:s9], [sflag:s14] =	dma.local @!p0 [hbm:s4], $0x3200  }
0xe: {  	s14 =	simm.s32 @!p0 $0x1  }
0xf: {  	_ =	swait.ge @!p0 [sflag:s14], $0x3200  }
0x10: {  	[sflag:s14] =	ssyncset.done @!p0 $0x0  }
0x11: {  	[sflag:s14] =	ssyncadd.s32 @!p0 $0xFFFFCE00  }
0x12: {  	s14 =	simm.s32 $0x0;
	[bflag:$0x0] =	sbarrier.arrive $0xFFFF  }
.LBB2_2:
0x13: {  	s15 =	smul.u32 $0x7D, s14;
	_ =	sdelay $0x1  }
0x14: {  	s15 =	sadd.s32 s5, s15  }
0x15: {  	s15 =	sshll.u32 s15, $0x4  }
0x16: {  	s17 =	simm.s32 $0x0;
	s16 =	sadd.s32 s15, s6  }
0x17: {  	[tilespmem:s10], [sflag:$0x1] =	stream.linear.gather [hbm4b:s16+s17], $0x3E80, $0x38;
	[tilespmem:$0x9600] =	vst v63  }
0x18: {  	_ =	swait.ge [sflag:s11], $0x3E80  }
0x19: {  	[sflag:s11] =	ssyncset.done $0x0  }
0x1a: {  	s15 =	sadd.s32 s3, s15;
	[sflag:s11] =	ssyncadd.s32 $0xFFFFC180  }
0x1b: {  	[tilespmem:s12], [sflag:$0x1] =	stream.linear.gather [hbm4b:s15+s17], $0x3E80, $0x38;
	[tilespmem:$0x9600] =	vst v63  }
0x1c: {  	_ =	swait.ge [sflag:s11], $0x3E80  }
0x1d: {  	[sflag:s11] =	ssyncset.done $0x0  }
0x1e: {  	s30 =	simm.s32 $0x5780;
	s31 =	simm.s32 $0x1900;
	[sflag:s11] =	ssyncadd.s32 $0xFFFFC180  }
0x1f: {  	[spmem:s1] =	stream.indirect.scatter.add.f32 [tilespmem:s30], [sflag:$0x1], $0x1, s31, s13, $0xb8;
	[tilespmem:$0x9600] =	vst v63  }
0x20: {  	s15 =	simm.s32 $0x200;
	_ =	swait.ge [sflag:s11], $0x50  }
.LBB2_3:
0x21: {  	s16 =	sshra.s32 s15, $0x2  }
0x22: {  	[sflag:s11] =	ssyncset.done $0x0;
	p1 =	sne.s32 s15, $0xF800;
	s17 =	sadd.s32 $0x5780, s16  }
.Ltmp0:
0x23: {  	s16 =	sadd.s32 $0x1900, s16;
	[sflag:s11] =	ssyncadd.s32 $0xFFFFFFB0;
	(pc) =	sbr.rel @p1 .LBB2_3-.Ltmp0, $3  }
0x24: {  	[spmem:s1] =	stream.indirect.scatter.add.f32 [tilespmem:s17], [sflag:$0x1], $0x1, s16, s13, $0xb8;
	[tilespmem:$0x9600] =	vst v63  }
0x25: {  	s15 =	sadd.s32 $0x200, s15;
	_ =	sdelay $0x1  }
0x26: {  	_ =	swait.ge [sflag:s11], $0x50  }
0x27: {  	s14 =	sadd.s32 $0x1, s14  }
0x28: {  	p1 =	sne.s32 s14, $0xA  }
.Ltmp1:
0x29: {  	_ = 	snop;
	(pc) =	sbr.rel @p1 .LBB2_2-.Ltmp1, $3  }
0x2a: {  	_ =	sdelay $0x1  }
0x2b: {  	[sflag:s11] =	ssyncset.done $0x0  }
0x2c: {  	[sflag:s11] =	ssyncadd.s32 $0xFFFFFFB0  }
0x2d: {  	[bflag:$0x0] =	sbarrier.arrive $0xFFFF;
	s14 =	simm.s32 @!p0 $0x1C01;
	s2 =	sadd.s32 $0x1, s2  }
0x2e: {  	[hbm:s7], [sflag:s14] =	dma.local @!p0 [spmem:s9], $0x3200  }
0x2f: {  	p1 =	sne.s32 s2, s8  }
.Ltmp2:
0x30: {  	_ = 	snop;
	(pc) =	sbr.rel @p1 .LBB2_1-.Ltmp2, $4  }
0x31: {  	s14 =	simm.s32 @!p0 $0x1  }
0x32: {  	_ =	swait.ge @!p0 [sflag:s14], $0x3200  }
0x33: {  	[sflag:s14] =	ssyncset.done @!p0 $0x0  }
0x34: {  	[sflag:s14] =	ssyncadd.s32 @!p0 $0xFFFFCE00  }
0x35: {  	_ =	sfence.sel $0x180000  }
0x36: {  	[bflag:$0x0] =	sbarrier.arrive $0xFFFF  }
0x37: {  	_ =	strace $0x90000055  }
0x38: {  	s0 =	sadd.s32 @!p0 $0x100000, s0;
	[bflag:$0x2] =	sbarrier.arrive $0xFFFF  }
0x39: {  	[sflag:s0] =	ssyncadd.tile.s32 @!p0 $0x1;
	_ =	shalt  }
.Lfunc_end2:
_tile_overlayer_lowered:
.L_overlay_start_2:
0x3a: {  	(tag) =	ssettag $0x2  }
0x3b: {  	s0 =	rddreg [dreg:$0x0];
	s2 =	stileid.u32  }
0x3c: {  	s1 =	rddreg [dreg:$0x1];
	p0 =	sne.s32 s2, $0x0  }
0x3d: {  	s3 =	rddreg [dreg:$0x2];
	[bflag:$0x3] =	sbarrier.arrive $0xFFFF;
	s2 =	simm.s32 @!p0 $0x1C01  }
0x3e: {  	[timem:s3], [sflag:s2] =	dma.local @!p0 [hbm:s0], s1  }
0x3f: {  	s0 =	simm.s32 @!p0 $0x1  }
0x40: {  	_ =	swait.ge @!p0 [sflag:s0], s1  }
0x41: {  	s1 =	ssub.s32 @!p0 $0x0, s1;
	[sflag:s0] =	ssyncset.done @!p0 $0x0  }
0x42: {  	[sflag:s0] =	ssyncadd.s32 @!p0 s1  }
0x43: {  	[bflag:$0x3] =	sbarrier.arrive $0xFFFF  }
0x44: {  	_ =	shalt  }

</sc_bundles>
